<compile_context>
chip_gen: v7x
topology: tpu7x:2x2x1
jax: 0.10.2.dev20260603
libtpu: 0.0.44.dev20260713+nightly
codegen_flags: <defaults>
</compile_context>

<pallas_src>
import functools
import math

import jax
import jax.numpy as jnp
import numpy as np
from jax import lax
from jax.experimental import pallas as pl
from jax.experimental.pallas import tpu as pltpu
from jax.experimental.pallas import tpu_sc as plsc

TS_LEN = 4096
SEG = 16
SEQ = TS_LEN // SEG
DM = 64
K = 8192
B = 8
NH = 9
NTOK = B * SEQ

K_SC = 3072
K_TC = K - K_SC


def _build_haar_matrix() -> np.ndarray:
    T = np.zeros((NH, SEQ, SEQ), np.float32)
    T[0, :, :] = 2.0 ** -6
    for ii, lvl in enumerate(range(12, 4, -1), start=1):
        segs_per_win = 1 << (lvl - 4)
        half = segs_per_win // 2
        w = 2.0 ** (-lvl / 2.0)
        ncoef = TS_LEN >> lvl
        for k in range(ncoef):
            m0 = k * segs_per_win
            rows = slice(k * segs_per_win, (k + 1) * segs_per_win)
            T[ii, rows, m0:m0 + half] = w
            T[ii, rows, m0 + half:m0 + segs_per_win] = -w
    return T


def _build_pos_emb() -> np.ndarray:
    position = np.arange(SEQ, dtype=np.float32)[:, None]
    div_term = np.exp(np.arange(0, DM, 2).astype(np.float32)
                      * (-math.log(10000.0) / DM))
    pe = np.zeros((SEQ, DM), np.float32)
    pe[:, 0::2] = np.sin(position * div_term)
    pe[:, 1::2] = np.cos(position * div_term)
    return pe


_HAAR_T = _build_haar_matrix()
_POS = _build_pos_emb()


def _ln(v):
    mu = jnp.mean(v, axis=-1, keepdims=True)
    var = jnp.mean((v - mu) * (v - mu), axis=-1, keepdims=True)
    return (v - mu) / jnp.sqrt(var + 1e-5)



def _main_body(x_ref, cbt_ref, whi_ref, wmid_ref, hemb_ref, tm_ref,
               pos_ref, row_ref, dmin_ref, rest_ref):
    segs = x_ref[0]
    smin = jnp.min(segs, axis=1, keepdims=True)
    smax = jnp.max(segs, axis=1, keepdims=True)
    sn = (segs - smin) / (smax - smin + 1e-8)

    d = jnp.zeros((SEQ, K_TC), jnp.float32)
    for j in range(SEG):
        d = d + jnp.abs(sn[:, j:j + 1] - cbt_ref[j:j + 1, :])

    dmin_ref[0] = jnp.min(d, axis=1, keepdims=True)
    idx = jnp.argmin(d, axis=1)[:, None]
    iota = jax.lax.broadcasted_iota(jnp.int32, (SEQ, K_TC), 1)
    onehot = (iota == idx).astype(jnp.bfloat16)
    row_ref[0] = (
        jax.lax.dot_general(onehot, whi_ref[...], (((1,), (0,)), ((), ())),
                            preferred_element_type=jnp.float32)
        + jax.lax.dot_general(onehot, wmid_ref[...], (((1,), (0,)), ((), ())),
                              preferred_element_type=jnp.float32))

    s_col = jnp.sum(segs, axis=1, keepdims=True)
    hacc = jnp.zeros((SEQ, DM), jnp.float32)
    for i in range(NH):
        hm = jax.lax.dot_general(
            tm_ref[i], s_col, (((1,), (0,)), ((), ())),
            precision=jax.lax.Precision.HIGHEST)
        hacc = hacc + hm * hemb_ref[i:i + 1, :]

    rest_ref[0] = _ln(hacc) + pos_ref[...]



_SC_INFO = plsc.get_sparse_core_info()
_NW = _SC_INFO.num_cores * _SC_INFO.num_subcores
_BPW = NTOK // _NW
_NKC = K_SC // 16


@functools.partial(
    pl.kernel,
    mesh=plsc.VectorSubcoreMesh(core_axis_name="c", subcore_axis_name="s"),
    out_type=[
        jax.ShapeDtypeStruct((NTOK,), jnp.float32),
        jax.ShapeDtypeStruct((NTOK,), jnp.int32),
        jax.ShapeDtypeStruct((NTOK, 2 * DM), jnp.float32),
    ],
    scratch_types=[
        pltpu.VMEM((SEG, K_SC), jnp.float32),
        pltpu.VMEM((_BPW, SEG), jnp.float32),
        pltpu.VMEM((_BPW,), jnp.float32),
        pltpu.VMEM((_BPW,), jnp.int32),
        pltpu.VMEM((_BPW,), jnp.int32),
        pltpu.VMEM((_BPW, 2 * DM), jnp.float32),
        pltpu.SemaphoreType.DMA,
    ],
)
def _sc_scan(cbt_hbm, x_hbm, table_hbm, d_hbm, i_hbm, rows_hbm,
             cb_v, x_v, d_v, i_v, ih_v, rows_v, sem):
    wid = lax.axis_index("s") * _SC_INFO.num_cores + lax.axis_index("c")
    base = wid * _BPW
    pltpu.sync_copy(cbt_hbm, cb_v)
    pltpu.sync_copy(x_hbm.at[pl.ds(base, _BPW)], x_v)

    lane = lax.iota(jnp.int32, 16)
    gdn = lax.GatherDimensionNumbers(
        offset_dims=(), collapsed_slice_dims=(0,), start_index_map=(0,))

    def perm(vec, idx):
        return lax.gather(vec, idx.reshape(16, 1), gdn, (1,),
                          mode=lax.GatherScatterMode.PROMISE_IN_BOUNDS)

    def splat(vec, j):
        return perm(vec, jnp.full((16,), j, jnp.int32))

    def allred(vec, op):
        for s in (1, 2, 4, 8):
            vec = op(vec, perm(vec, lane ^ s))
        return vec

    def grp_body(g, _):
        dvec = jnp.zeros((16,), jnp.float32)
        ivec = jnp.zeros((16,), jnp.int32)

        def seg_body(t, carry):
            dvec, ivec = carry
            row = x_v[g * 16 + t, :]
            mn = allred(row, jnp.minimum)
            mx = allred(row, jnp.maximum)
            row = (row - mn) / (mx - mn + 1e-8)
            sp = [splat(row, j) for j in range(SEG)]
            big = jnp.full((16,), 3.0e38, jnp.float32)
            zi = jnp.zeros((16,), jnp.int32)

            def kc_body(kc, kcarry):
                best, bidx = kcarry
                acc = jnp.zeros((16,), jnp.float32)
                for j in range(SEG):
                    acc = acc + jnp.abs(sp[j] - cb_v[j, pl.ds(kc * 16, 16)])
                kvec = lane + (kc * 16 + K_TC)
                m = acc < best
                return jnp.where(m, acc, best), jnp.where(m, kvec, bidx)

            best, bidx = lax.fori_loop(0, _NKC, kc_body, (big, zi))
            dminv = allred(best, jnp.minimum)
            iminv = allred(jnp.where(best == dminv, bidx, 2 * K),
                           jnp.minimum)
            put = lane == t
            return jnp.where(put, dminv, dvec), jnp.where(put, iminv, ivec)

        dvec, ivec = lax.fori_loop(0, 16, seg_body, (dvec, ivec))
        d_v[pl.ds(g * 16, 16)] = dvec
        i_v[pl.ds(g * 16, 16)] = ivec
        ih_v[pl.ds(g * 16, 16)] = jax.lax.shift_right_logical(ivec, 1)
        return 0

    lax.fori_loop(0, _BPW // 16, grp_body, 0)

    pltpu.async_copy(table_hbm.at[ih_v], rows_v, sem).wait()
    pltpu.sync_copy(d_v, d_hbm.at[pl.ds(base, _BPW)])
    pltpu.sync_copy(i_v, i_hbm.at[pl.ds(base, _BPW)])
    pltpu.sync_copy(rows_v, rows_hbm.at[pl.ds(base, _BPW)])



def _epilogue_body(pair_ref, par_ref, dsc_ref, row_ref, dtc_ref, rest_ref,
                   out_ref):
    pick_par = par_ref[...] == 1
    sc_row = jnp.where(pick_par, pair_ref[:, DM:], pair_ref[:, :DM])
    pick_sc = dsc_ref[...] < dtc_ref[...]
    seq = jnp.where(pick_sc, sc_row, row_ref[...])
    out_ref[...] = _ln(seq + rest_ref[...])


def kernel(X, codebook, word_emb, haar_emb):
    X3 = X.reshape(B, SEQ, SEG)
    cbT = codebook.T
    w_hi = word_emb[:K_TC].astype(jnp.bfloat16)
    w_mid = ((word_emb[:K_TC] - w_hi.astype(jnp.float32))
             .astype(jnp.bfloat16))
    tm = jnp.asarray(_HAAR_T)
    pos = jnp.asarray(_POS)

    d_sc, i_sc, pairs = _sc_scan(
        cbT[:, K_TC:], X.reshape(NTOK, SEG), word_emb.reshape(K // 2, 2 * DM))

    row_tc, dmin_tc, rest = pl.pallas_call(
        _main_body,
        grid=(B,),
        in_specs=[
            pl.BlockSpec((1, SEQ, SEG), lambda b: (b, 0, 0)),
            pl.BlockSpec((SEG, K_TC), lambda b: (0, 0)),
            pl.BlockSpec((K_TC, DM), lambda b: (0, 0)),
            pl.BlockSpec((K_TC, DM), lambda b: (0, 0)),
            pl.BlockSpec((NH, DM), lambda b: (0, 0)),
            pl.BlockSpec((NH, SEQ, SEQ), lambda b: (0, 0, 0)),
            pl.BlockSpec((SEQ, DM), lambda b: (0, 0)),
        ],
        out_specs=[
            pl.BlockSpec((1, SEQ, DM), lambda b: (b, 0, 0)),
            pl.BlockSpec((1, SEQ, 1), lambda b: (b, 0, 0)),
            pl.BlockSpec((1, SEQ, DM), lambda b: (b, 0, 0)),
        ],
        out_shape=[
            jax.ShapeDtypeStruct((B, SEQ, DM), jnp.float32),
            jax.ShapeDtypeStruct((B, SEQ, 1), jnp.float32),
            jax.ShapeDtypeStruct((B, SEQ, DM), jnp.float32),
        ],
    )(X3, cbT[:, :K_TC], w_hi, w_mid, haar_emb, tm, pos)

    out2 = pl.pallas_call(
        _epilogue_body,
        in_specs=[
            pl.BlockSpec((NTOK, 2 * DM), lambda: (0, 0)),
            pl.BlockSpec((NTOK, 1), lambda: (0, 0)),
            pl.BlockSpec((NTOK, 1), lambda: (0, 0)),
            pl.BlockSpec((NTOK, DM), lambda: (0, 0)),
            pl.BlockSpec((NTOK, 1), lambda: (0, 0)),
            pl.BlockSpec((NTOK, DM), lambda: (0, 0)),
        ],
        out_specs=pl.BlockSpec((NTOK, DM), lambda: (0, 0)),
        out_shape=jax.ShapeDtypeStruct((NTOK, DM), jnp.float32),
    )(pairs, (i_sc & 1).reshape(NTOK, 1), d_sc.reshape(NTOK, 1),
      row_tc.reshape(NTOK, DM), dmin_tc.reshape(NTOK, 1),
      rest.reshape(NTOK, DM))

    att_mask = jnp.ones((B, SEQ), jnp.int32)
    return out2.reshape(B, SEQ, DM), att_mask

# --- scband reference (transcript-rebuilt; emitter-appended) ---
"""Pipeline reference for scband-hitsbe-40510131536188 (READ-ONLY COPY).

The authoritative reference and input builder live on the scoring server;
editing this copy changes nothing except your own understanding.
"""

import jax, jax.numpy as jnp
import numpy as np
import math

TS_LEN = 4096
DIM_SEGMENT = 16
DIM_SEQ = TS_LEN // DIM_SEGMENT
DIM_MODEL = 64
MAX_HAAR_DEPTH = 8
NHAAR = min(int(math.log2(DIM_SEQ)), MAX_HAAR_DEPTH)
VOCAB_SIZE = 8192
BATCH = 8


def setup_inputs(seed: int = 0) -> dict:
    key = jax.random.key(seed)
    k1, k2, k3, k4 = jax.random.split(key, 4)
    X = jax.random.normal(k1, (BATCH, TS_LEN), dtype=jnp.float32)
    # vocabulary words live in [0,1] (segments are min-max normalized before matching)
    codebook = jax.random.uniform(k2, (VOCAB_SIZE, DIM_SEGMENT), dtype=jnp.float32)
    word_emb = jax.random.normal(k3, (VOCAB_SIZE, DIM_MODEL), dtype=jnp.float32)
    haar_emb = jax.random.normal(k4, (NHAAR + 1, DIM_MODEL), dtype=jnp.float32)
    return {"X": X, "codebook": codebook, "word_emb": word_emb, "haar_emb": haar_emb}


def _layer_norm(x, eps=1e-5):
    mu = jnp.mean(x, axis=-1, keepdims=True)
    var = jnp.var(x, axis=-1, keepdims=True)
    return (x - mu) / jnp.sqrt(var + eps)


def _pos_emb():
    position = jnp.arange(DIM_SEQ, dtype=jnp.float32)[:, None]
    div_term = jnp.exp(jnp.arange(0, DIM_MODEL, 2).astype(jnp.float32) * (-math.log(10000.0) / DIM_MODEL))
    pe = jnp.zeros((DIM_SEQ, DIM_MODEL), dtype=jnp.float32)
    pe = pe.at[:, 0::2].set(jnp.sin(position * div_term))
    pe = pe.at[:, 1::2].set(jnp.cos(position * div_term))
    return pe


def _forward(X, codebook, word_emb, haar_emb):
    B = X.shape[0]
    # _adjust: inputs are exactly ts_len long -> identity, full attention mask
    X_adj = X
    att_mask = jnp.ones((B, DIM_SEQ), dtype=jnp.int32)

    # ---- word (codebook) embedding: per-segment min-max norm, L1 argmin over vocab, gather ----
    segs = X_adj.reshape(B, DIM_SEQ, DIM_SEGMENT)
    smin = jnp.min(segs, axis=-1, keepdims=True)
    smax = jnp.max(segs, axis=-1, keepdims=True)
    segs_norm = (segs - smin) / (smax - smin + 1e-8)

    def per_row(sn):  # sn: [DIM_SEQ, DIM_SEGMENT]
        d = jnp.sum(jnp.abs(sn[:, None, :] - codebook[None, :, :]), axis=-1)  # [DIM_SEQ, K]
        return jnp.argmin(d, axis=-1)

    idx = jax.lax.map(per_row, segs_norm)  # [B, DIM_SEQ]
    seq_emb = jnp.take(word_emb, idx, axis=0) * att_mask[:, :, None].astype(jnp.float32)

    # ---- haar embedding (pywt.wavedec('haar'), first NHAAR+1 coeff arrays) ----
    cds = []
    cur = X_adj
    nlevels = int(math.log2(TS_LEN))
    inv_sqrt2 = 1.0 / math.sqrt(2.0)
    for _ in range(nlevels):
        even = cur[:, 0::2]
        odd = cur[:, 1::2]
        cds.append((even - odd) * inv_sqrt2)
        cur = (even + odd) * inv_sqrt2
    coeffs = [cur] + cds[::-1]  # [cA_L, cD_L, cD_{L-1}, ..., cD_1]
    take = coeffs[:NHAAR + 1]
    mats = [jnp.repeat(c, DIM_SEQ // c.shape[1], axis=1) for c in take]  # each [B, DIM_SEQ]
    haar_mat = jnp.stack(mats, axis=2)  # [B, DIM_SEQ, NHAAR+1]
    haar_mat = haar_mat * att_mask[:, :, None].astype(haar_mat.dtype)
    haar_embed = haar_mat @ haar_emb  # [B, DIM_SEQ, DIM_MODEL]
    haar_embed = _layer_norm(haar_embed)

    out = seq_emb + haar_embed + _pos_emb()[None, :, :]
    out = _layer_norm(out)
    return out, att_mask


def reference(X, codebook, word_emb, haar_emb):
    return _forward(X, codebook, word_emb, haar_emb)

if __name__ == "__main__":
    import jax
    _d = setup_inputs()
    print(jax.jit(kernel)(*tuple(_d.values())))

</pallas_src>

<mosaic_0001>
#map = affine_map<(d0, d1) -> (0, 0)>
#map1 = affine_map<(d0, d1) -> (0)>
module attributes {stable_mosaic.version = 14 : i64} {
  func.func @_sc_scan(%arg0: i32, %arg1: i32, %arg2: memref<16x3072xf32, #tpu.memory_space<hbm>>, %arg3: memref<2048x16xf32, #tpu.memory_space<hbm>>, %arg4: memref<4096x128xf32, #tpu.memory_space<hbm>>, %arg5: memref<2048xf32, #tpu.memory_space<hbm>>, %arg6: memref<2048xi32, #tpu.memory_space<hbm>>, %arg7: memref<2048x128xf32, #tpu.memory_space<hbm>>, %arg8: memref<16x3072xf32, #tpu.memory_space<vmem>>, %arg9: memref<64x16xf32, #tpu.memory_space<vmem>>, %arg10: memref<64xf32, #tpu.memory_space<vmem>>, %arg11: memref<64xi32, #tpu.memory_space<vmem>>, %arg12: memref<64xi32, #tpu.memory_space<vmem>>, %arg13: memref<64x128xf32, #tpu.memory_space<vmem>>, %arg14: memref<!tpu.dma_semaphore, #tpu.memory_space<semaphore_mem>>) attributes {dimension_semantics = [#tpu.dimension_semantics<core_parallel>, #tpu.dimension_semantics<subcore_parallel>], iteration_bounds = array<i64: 2, 16>, scalar_prefetch = 0 : i64, scratch_operands = 7 : i64, tpu.core_type = #tpu.core_type<sc_vector_subcore>, window_params = [{transform_indices = #map}, {transform_indices = #map}, {transform_indices = #map}, {transform_indices = #map1}, {transform_indices = #map1}, {transform_indices = #map}]} {
    %mul3A = arith.constant 2 : i32
    %mul3A_0 = arith.muli %arg1, %mul3A : i32
    %add3A = arith.addi %mul3A_0, %arg0 : i32
    %mul3A_1 = arith.constant 64 : i32
    %mul3A_2 = arith.muli %add3A, %mul3A_1 : i32
    "tpu.region"() ({
      %run_scoped3A = tpu.sem_alloc : memref<!tpu.dma_semaphore, #tpu.memory_space<semaphore_mem>>
      tpu.enqueue_dma source(%arg2 : memref<16x3072xf32, #tpu.memory_space<hbm>>) target(%arg8 : memref<16x3072xf32, #tpu.memory_space<vmem>>) target_semaphore(%run_scoped3A : memref<!tpu.dma_semaphore, #tpu.memory_space<semaphore_mem>>)
      tpu.wait_dma2 semaphore(%run_scoped3A : memref<!tpu.dma_semaphore, #tpu.memory_space<semaphore_mem>>) src(%arg2 : memref<16x3072xf32, #tpu.memory_space<hbm>>) dst(%arg8 : memref<16x3072xf32, #tpu.memory_space<vmem>>)
      tpu.yield
    }) : () -> ()
    "tpu.region"() ({
      %run_scoped3A = tpu.sem_alloc : memref<!tpu.dma_semaphore, #tpu.memory_space<semaphore_mem>>
      %dma_start3A_13 = arith.constant 0 : i32
      %dma_start3A_14 = tpu.memref_slice %arg3[%mul3A_2, %dma_start3A_13] : memref<2048x16xf32, #tpu.memory_space<hbm>> -> memref<64x16xf32, #tpu.memory_space<hbm>>
      %dma_start3A_15 = arith.constant 0 : i32
      %dma_start3A_16 = tpu.memref_slice %arg3[%mul3A_2, %dma_start3A_15] : memref<2048x16xf32, #tpu.memory_space<hbm>> -> memref<64x16xf32, #tpu.memory_space<hbm>>
      tpu.enqueue_dma source(%dma_start3A_16 : memref<64x16xf32, #tpu.memory_space<hbm>>) target(%arg9 : memref<64x16xf32, #tpu.memory_space<vmem>>) target_semaphore(%run_scoped3A : memref<!tpu.dma_semaphore, #tpu.memory_space<semaphore_mem>>)
      %dma_wait3A_17 = arith.constant 0 : i32
      %dma_wait3A_18 = tpu.memref_slice %arg3[%mul3A_2, %dma_wait3A_17] : memref<2048x16xf32, #tpu.memory_space<hbm>> -> memref<64x16xf32, #tpu.memory_space<hbm>>
      %dma_wait3A_19 = arith.constant 0 : i32
      %dma_wait3A_20 = tpu.memref_slice %arg3[%mul3A_2, %dma_wait3A_19] : memref<2048x16xf32, #tpu.memory_space<hbm>> -> memref<64x16xf32, #tpu.memory_space<hbm>>
      tpu.wait_dma2 semaphore(%run_scoped3A : memref<!tpu.dma_semaphore, #tpu.memory_space<semaphore_mem>>) src(%dma_wait3A_20 : memref<64x16xf32, #tpu.memory_space<hbm>>) dst(%arg9 : memref<64x16xf32, #tpu.memory_space<vmem>>)
      tpu.yield
    }) : () -> ()
    %iota3A = tpu.iota {dimensions = array<i32: 0>} : vector<16xi32>
    %scan3A = arith.constant 0 : i32
    %scan3A_3 = arith.constant 0 : i32
    %scan3A_4 = arith.constant 4 : i32
    %scan3A_5 = arith.addi %scan3A_3, %scan3A_4 : i32
    %scan3A_6 = arith.constant 1 : i32
    %scan3A_7 = scf.for %scan3A_13 = %scan3A_3 to %scan3A_5 step %scan3A_6 iter_args(%scan3A_14 = %scan3A) -> (i32)  : i32 {
      %broadcast_in_dim3A = arith.constant 0.000000e+00 : f32
      %broadcast_in_dim3A_15 = vector.broadcast %broadcast_in_dim3A : f32 to vector<16xf32>
      %broadcast_in_dim3A_16 = arith.constant 0 : i32
      %broadcast_in_dim3A_17 = vector.broadcast %broadcast_in_dim3A_16 : i32 to vector<16xi32>
      %scan3A_18 = arith.constant 0 : i32
      %scan3A_19 = arith.constant 16 : i32
      %scan3A_20 = arith.addi %scan3A_18, %scan3A_19 : i32
      %scan3A_21 = arith.constant 1 : i32
      %scan3A_22:2 = scf.for %scan3A_44 = %scan3A_18 to %scan3A_20 step %scan3A_21 iter_args(%scan3A_45 = %broadcast_in_dim3A_15, %scan3A_46 = %broadcast_in_dim3A_17) -> (vector<16xf32>, vector<16xi32>)  : i32 {
        %mul3A_47 = arith.constant 16 : i32
        %mul3A_48 = arith.muli %scan3A_13, %mul3A_47 : i32
        %add3A_49 = arith.addi %mul3A_48, %scan3A_44 : i32
        %get3A = arith.index_cast %add3A_49 : i32 to index
        %get3A_50 = arith.constant 0 : index
        %get3A_51 = tpu.vector_load %arg9[%get3A, %get3A_50] {strides = array<i32>} : memref<64x16xf32, #tpu.memory_space<vmem>>, vector<1x16xf32>,
        %get3A_52 = vector.shape_cast %get3A_51 : vector<1x16xf32> to vector<16xf32>
        %xor3A = arith.constant 1 : i32
        %xor3A_53 = vector.broadcast %xor3A : i32 to vector<16xi32>
        %xor3A_54 = arith.xori %iota3A, %xor3A_53 : vector<16xi32>
        %reshape3A = vector.shape_cast %xor3A_54 : vector<16xi32> to vector<16x1xi32>
        %gather3A = vector.shape_cast %reshape3A : vector<16x1xi32> to vector<16xi32>
        %gather3A_55 = tpu.dynamic_gather %get3A_52[%gather3A] in [0] : vector<16xf32>, vector<16xi32> -> vector<16xf32>
        %min3A = arith.minimumf %get3A_52, %gather3A_55 : vector<16xf32>
        %xor3A_56 = arith.constant 2 : i32
        %xor3A_57 = vector.broadcast %xor3A_56 : i32 to vector<16xi32>
        %xor3A_58 = arith.xori %iota3A, %xor3A_57 : vector<16xi32>
        %reshape3A_59 = vector.shape_cast %xor3A_58 : vector<16xi32> to vector<16x1xi32>
        %gather3A_60 = vector.shape_cast %reshape3A_59 : vector<16x1xi32> to vector<16xi32>
        %gather3A_61 = tpu.dynamic_gather %min3A[%gather3A_60] in [0] : vector<16xf32>, vector<16xi32> -> vector<16xf32>
        %min3A_62 = arith.minimumf %min3A, %gather3A_61 : vector<16xf32>
        %xor3A_63 = arith.constant 4 : i32
        %xor3A_64 = vector.broadcast %xor3A_63 : i32 to vector<16xi32>
        %xor3A_65 = arith.xori %iota3A, %xor3A_64 : vector<16xi32>
        %reshape3A_66 = vector.shape_cast %xor3A_65 : vector<16xi32> to vector<16x1xi32>
        %gather3A_67 = vector.shape_cast %reshape3A_66 : vector<16x1xi32> to vector<16xi32>
        %gather3A_68 = tpu.dynamic_gather %min3A_62[%gather3A_67] in [0] : vector<16xf32>, vector<16xi32> -> vector<16xf32>
        %min3A_69 = arith.minimumf %min3A_62, %gather3A_68 : vector<16xf32>
        %xor3A_70 = arith.constant 8 : i32
        %xor3A_71 = vector.broadcast %xor3A_70 : i32 to vector<16xi32>
        %xor3A_72 = arith.xori %iota3A, %xor3A_71 : vector<16xi32>
        %reshape3A_73 = vector.shape_cast %xor3A_72 : vector<16xi32> to vector<16x1xi32>
        %gather3A_74 = vector.shape_cast %reshape3A_73 : vector<16x1xi32> to vector<16xi32>
        %gather3A_75 = tpu.dynamic_gather %min3A_69[%gather3A_74] in [0] : vector<16xf32>, vector<16xi32> -> vector<16xf32>
        %min3A_76 = arith.minimumf %min3A_69, %gather3A_75 : vector<16xf32>
        %xor3A_77 = arith.constant 1 : i32
        %xor3A_78 = vector.broadcast %xor3A_77 : i32 to vector<16xi32>
        %xor3A_79 = arith.xori %iota3A, %xor3A_78 : vector<16xi32>
        %reshape3A_80 = vector.shape_cast %xor3A_79 : vector<16xi32> to vector<16x1xi32>
        %gather3A_81 = vector.shape_cast %reshape3A_80 : vector<16x1xi32> to vector<16xi32>
        %gather3A_82 = tpu.dynamic_gather %get3A_52[%gather3A_81] in [0] : vector<16xf32>, vector<16xi32> -> vector<16xf32>
        %max3A = arith.maximumf %get3A_52, %gather3A_82 : vector<16xf32>
        %xor3A_83 = arith.constant 2 : i32
        %xor3A_84 = vector.broadcast %xor3A_83 : i32 to vector<16xi32>
        %xor3A_85 = arith.xori %iota3A, %xor3A_84 : vector<16xi32>
        %reshape3A_86 = vector.shape_cast %xor3A_85 : vector<16xi32> to vector<16x1xi32>
        %gather3A_87 = vector.shape_cast %reshape3A_86 : vector<16x1xi32> to vector<16xi32>
        %gather3A_88 = tpu.dynamic_gather %max3A[%gather3A_87] in [0] : vector<16xf32>, vector<16xi32> -> vector<16xf32>
        %max3A_89 = arith.maximumf %max3A, %gather3A_88 : vector<16xf32>
        %xor3A_90 = arith.constant 4 : i32
        %xor3A_91 = vector.broadcast %xor3A_90 : i32 to vector<16xi32>
        %xor3A_92 = arith.xori %iota3A, %xor3A_91 : vector<16xi32>
        %reshape3A_93 = vector.shape_cast %xor3A_92 : vector<16xi32> to vector<16x1xi32>
        %gather3A_94 = vector.shape_cast %reshape3A_93 : vector<16x1xi32> to vector<16xi32>
        %gather3A_95 = tpu.dynamic_gather %max3A_89[%gather3A_94] in [0] : vector<16xf32>, vector<16xi32> -> vector<16xf32>
        %max3A_96 = arith.maximumf %max3A_89, %gather3A_95 : vector<16xf32>
        %xor3A_97 = arith.constant 8 : i32
        %xor3A_98 = vector.broadcast %xor3A_97 : i32 to vector<16xi32>
        %xor3A_99 = arith.xori %iota3A, %xor3A_98 : vector<16xi32>
        %reshape3A_100 = vector.shape_cast %xor3A_99 : vector<16xi32> to vector<16x1xi32>
        %gather3A_101 = vector.shape_cast %reshape3A_100 : vector<16x1xi32> to vector<16xi32>
        %gather3A_102 = tpu.dynamic_gather %max3A_96[%gather3A_101] in [0] : vector<16xf32>, vector<16xi32> -> vector<16xf32>
        %max3A_103 = arith.maximumf %max3A_96, %gather3A_102 : vector<16xf32>
        %sub3A = arith.subf %get3A_52, %min3A_76 : vector<16xf32>
        %sub3A_104 = arith.subf %max3A_103, %min3A_76 : vector<16xf32>
        %add3A_105 = arith.constant 9.99999993E-9 : f32
        %add3A_106 = vector.broadcast %add3A_105 : f32 to vector<16xf32>
        %add3A_107 = arith.addf %sub3A_104, %add3A_106 : vector<16xf32>
        %div3A = arith.divf %sub3A, %add3A_107 : vector<16xf32>
        %broadcast_in_dim3A_108 = arith.constant 0 : i32
        %broadcast_in_dim3A_109 = vector.broadcast %broadcast_in_dim3A_108 : i32 to vector<16xi32>
        %reshape3A_110 = vector.shape_cast %broadcast_in_dim3A_109 : vector<16xi32> to vector<16x1xi32>
        %gather3A_111 = vector.shape_cast %reshape3A_110 : vector<16x1xi32> to vector<16xi32>
        %gather3A_112 = tpu.dynamic_gather %div3A[%gather3A_111] in [0] : vector<16xf32>, vector<16xi32> -> vector<16xf32>
        %broadcast_in_dim3A_113 = arith.constant 1 : i32
        %broadcast_in_dim3A_114 = vector.broadcast %broadcast_in_dim3A_113 : i32 to vector<16xi32>
        %reshape3A_115 = vector.shape_cast %broadcast_in_dim3A_114 : vector<16xi32> to vector<16x1xi32>
        %gather3A_116 = vector.shape_cast %reshape3A_115 : vector<16x1xi32> to vector<16xi32>
        %gather3A_117 = tpu.dynamic_gather %div3A[%gather3A_116] in [0] : vector<16xf32>, vector<16xi32> -> vector<16xf32>
        %broadcast_in_dim3A_118 = arith.constant 2 : i32
        %broadcast_in_dim3A_119 = vector.broadcast %broadcast_in_dim3A_118 : i32 to vector<16xi32>
        %reshape3A_120 = vector.shape_cast %broadcast_in_dim3A_119 : vector<16xi32> to vector<16x1xi32>
        %gather3A_121 = vector.shape_cast %reshape3A_120 : vector<16x1xi32> to vector<16xi32>
        %gather3A_122 = tpu.dynamic_gather %div3A[%gather3A_121] in [0] : vector<16xf32>, vector<16xi32> -> vector<16xf32>
        %broadcast_in_dim3A_123 = arith.constant 3 : i32
        %broadcast_in_dim3A_124 = vector.broadcast %broadcast_in_dim3A_123 : i32 to vector<16xi32>
        %reshape3A_125 = vector.shape_cast %broadcast_in_dim3A_124 : vector<16xi32> to vector<16x1xi32>
        %gather3A_126 = vector.shape_cast %reshape3A_125 : vector<16x1xi32> to vector<16xi32>
        %gather3A_127 = tpu.dynamic_gather %div3A[%gather3A_126] in [0] : vector<16xf32>, vector<16xi32> -> vector<16xf32>
        %broadcast_in_dim3A_128 = arith.constant 4 : i32
        %broadcast_in_dim3A_129 = vector.broadcast %broadcast_in_dim3A_128 : i32 to vector<16xi32>
        %reshape3A_130 = vector.shape_cast %broadcast_in_dim3A_129 : vector<16xi32> to vector<16x1xi32>
        %gather3A_131 = vector.shape_cast %reshape3A_130 : vector<16x1xi32> to vector<16xi32>
        %gather3A_132 = tpu.dynamic_gather %div3A[%gather3A_131] in [0] : vector<16xf32>, vector<16xi32> -> vector<16xf32>
        %broadcast_in_dim3A_133 = arith.constant 5 : i32
        %broadcast_in_dim3A_134 = vector.broadcast %broadcast_in_dim3A_133 : i32 to vector<16xi32>
        %reshape3A_135 = vector.shape_cast %broadcast_in_dim3A_134 : vector<16xi32> to vector<16x1xi32>
        %gather3A_136 = vector.shape_cast %reshape3A_135 : vector<16x1xi32> to vector<16xi32>
        %gather3A_137 = tpu.dynamic_gather %div3A[%gather3A_136] in [0] : vector<16xf32>, vector<16xi32> -> vector<16xf32>
        %broadcast_in_dim3A_138 = arith.constant 6 : i32
        %broadcast_in_dim3A_139 = vector.broadcast %broadcast_in_dim3A_138 : i32 to vector<16xi32>
        %reshape3A_140 = vector.shape_cast %broadcast_in_dim3A_139 : vector<16xi32> to vector<16x1xi32>
        %gather3A_141 = vector.shape_cast %reshape3A_140 : vector<16x1xi32> to vector<16xi32>
        %gather3A_142 = tpu.dynamic_gather %div3A[%gather3A_141] in [0] : vector<16xf32>, vector<16xi32> -> vector<16xf32>
        %broadcast_in_dim3A_143 = arith.constant 7 : i32
        %broadcast_in_dim3A_144 = vector.broadcast %broadcast_in_dim3A_143 : i32 to vector<16xi32>
        %reshape3A_145 = vector.shape_cast %broadcast_in_dim3A_144 : vector<16xi32> to vector<16x1xi32>
        %gather3A_146 = vector.shape_cast %reshape3A_145 : vector<16x1xi32> to vector<16xi32>
        %gather3A_147 = tpu.dynamic_gather %div3A[%gather3A_146] in [0] : vector<16xf32>, vector<16xi32> -> vector<16xf32>
        %broadcast_in_dim3A_148 = arith.constant 8 : i32
        %broadcast_in_dim3A_149 = vector.broadcast %broadcast_in_dim3A_148 : i32 to vector<16xi32>
        %reshape3A_150 = vector.shape_cast %broadcast_in_dim3A_149 : vector<16xi32> to vector<16x1xi32>
        %gather3A_151 = vector.shape_cast %reshape3A_150 : vector<16x1xi32> to vector<16xi32>
        %gather3A_152 = tpu.dynamic_gather %div3A[%gather3A_151] in [0] : vector<16xf32>, vector<16xi32> -> vector<16xf32>
        %broadcast_in_dim3A_153 = arith.constant 9 : i32
        %broadcast_in_dim3A_154 = vector.broadcast %broadcast_in_dim3A_153 : i32 to vector<16xi32>
        %reshape3A_155 = vector.shape_cast %broadcast_in_dim3A_154 : vector<16xi32> to vector<16x1xi32>
        %gather3A_156 = vector.shape_cast %reshape3A_155 : vector<16x1xi32> to vector<16xi32>
        %gather3A_157 = tpu.dynamic_gather %div3A[%gather3A_156] in [0] : vector<16xf32>, vector<16xi32> -> vector<16xf32>
        %broadcast_in_dim3A_158 = arith.constant 10 : i32
        %broadcast_in_dim3A_159 = vector.broadcast %broadcast_in_dim3A_158 : i32 to vector<16xi32>
        %reshape3A_160 = vector.shape_cast %broadcast_in_dim3A_159 : vector<16xi32> to vector<16x1xi32>
        %gather3A_161 = vector.shape_cast %reshape3A_160 : vector<16x1xi32> to vector<16xi32>
        %gather3A_162 = tpu.dynamic_gather %div3A[%gather3A_161] in [0] : vector<16xf32>, vector<16xi32> -> vector<16xf32>
        %broadcast_in_dim3A_163 = arith.constant 11 : i32
        %broadcast_in_dim3A_164 = vector.broadcast %broadcast_in_dim3A_163 : i32 to vector<16xi32>
        %reshape3A_165 = vector.shape_cast %broadcast_in_dim3A_164 : vector<16xi32> to vector<16x1xi32>
        %gather3A_166 = vector.shape_cast %reshape3A_165 : vector<16x1xi32> to vector<16xi32>
        %gather3A_167 = tpu.dynamic_gather %div3A[%gather3A_166] in [0] : vector<16xf32>, vector<16xi32> -> vector<16xf32>
        %broadcast_in_dim3A_168 = arith.constant 12 : i32
        %broadcast_in_dim3A_169 = vector.broadcast %broadcast_in_dim3A_168 : i32 to vector<16xi32>
        %reshape3A_170 = vector.shape_cast %broadcast_in_dim3A_169 : vector<16xi32> to vector<16x1xi32>
        %gather3A_171 = vector.shape_cast %reshape3A_170 : vector<16x1xi32> to vector<16xi32>
        %gather3A_172 = tpu.dynamic_gather %div3A[%gather3A_171] in [0] : vector<16xf32>, vector<16xi32> -> vector<16xf32>
        %broadcast_in_dim3A_173 = arith.constant 13 : i32
        %broadcast_in_dim3A_174 = vector.broadcast %broadcast_in_dim3A_173 : i32 to vector<16xi32>
        %reshape3A_175 = vector.shape_cast %broadcast_in_dim3A_174 : vector<16xi32> to vector<16x1xi32>
        %gather3A_176 = vector.shape_cast %reshape3A_175 : vector<16x1xi32> to vector<16xi32>
        %gather3A_177 = tpu.dynamic_gather %div3A[%gather3A_176] in [0] : vector<16xf32>, vector<16xi32> -> vector<16xf32>
        %broadcast_in_dim3A_178 = arith.constant 14 : i32
        %broadcast_in_dim3A_179 = vector.broadcast %broadcast_in_dim3A_178 : i32 to vector<16xi32>
        %reshape3A_180 = vector.shape_cast %broadcast_in_dim3A_179 : vector<16xi32> to vector<16x1xi32>
        %gather3A_181 = vector.shape_cast %reshape3A_180 : vector<16x1xi32> to vector<16xi32>
        %gather3A_182 = tpu.dynamic_gather %div3A[%gather3A_181] in [0] : vector<16xf32>, vector<16xi32> -> vector<16xf32>
        %broadcast_in_dim3A_183 = arith.constant 15 : i32
        %broadcast_in_dim3A_184 = vector.broadcast %broadcast_in_dim3A_183 : i32 to vector<16xi32>
        %reshape3A_185 = vector.shape_cast %broadcast_in_dim3A_184 : vector<16xi32> to vector<16x1xi32>
        %gather3A_186 = vector.shape_cast %reshape3A_185 : vector<16x1xi32> to vector<16xi32>
        %gather3A_187 = tpu.dynamic_gather %div3A[%gather3A_186] in [0] : vector<16xf32>, vector<16xi32> -> vector<16xf32>
        %broadcast_in_dim3A_188 = arith.constant 3.000000e+38 : f32
        %broadcast_in_dim3A_189 = vector.broadcast %broadcast_in_dim3A_188 : f32 to vector<16xf32>
        %broadcast_in_dim3A_190 = arith.constant 0 : i32
        %broadcast_in_dim3A_191 = vector.broadcast %broadcast_in_dim3A_190 : i32 to vector<16xi32>
        %scan3A_192 = arith.constant 0 : i32
        %scan3A_193 = arith.constant 192 : i32
        %scan3A_194 = arith.addi %scan3A_192, %scan3A_193 : i32
        %scan3A_195 = arith.constant 1 : i32
        %scan3A_196:2 = scf.for %scan3A_259 = %scan3A_192 to %scan3A_194 step %scan3A_195 iter_args(%scan3A_260 = %broadcast_in_dim3A_189, %scan3A_261 = %broadcast_in_dim3A_191) -> (vector<16xf32>, vector<16xi32>)  : i32 {
          %broadcast_in_dim3A_262 = arith.constant 0.000000e+00 : f32
          %broadcast_in_dim3A_263 = vector.broadcast %broadcast_in_dim3A_262 : f32 to vector<16xf32>
          %mul3A_264 = arith.constant 16 : i32
          %mul3A_265 = arith.muli %scan3A_259, %mul3A_264 : i32
          %get3A_266 = arith.constant 0 : i32
          %get3A_267 = arith.index_cast %get3A_266 : i32 to index
          %get3A_268 = arith.index_cast %mul3A_265 : i32 to index
          %get3A_269 = tpu.vector_load %arg8[%get3A_267, %get3A_268] {strides = array<i32>} : memref<16x3072xf32, #tpu.memory_space<vmem>>, vector<1x16xf32>,
          %get3A_270 = vector.shape_cast %get3A_269 : vector<1x16xf32> to vector<16xf32>
          %sub3A_271 = arith.subf %gather3A_112, %get3A_270 : vector<16xf32>
          %abs3A = math.absf %sub3A_271 : vector<16xf32>
          %add3A_272 = arith.addf %broadcast_in_dim3A_263, %abs3A : vector<16xf32>
          %mul3A_273 = arith.constant 16 : i32
          %mul3A_274 = arith.muli %scan3A_259, %mul3A_273 : i32
          %get3A_275 = arith.constant 1 : i32
          %get3A_276 = arith.index_cast %get3A_275 : i32 to index
          %get3A_277 = arith.index_cast %mul3A_274 : i32 to index
          %get3A_278 = tpu.vector_load %arg8[%get3A_276, %get3A_277] {strides = array<i32>} : memref<16x3072xf32, #tpu.memory_space<vmem>>, vector<1x16xf32>,
          %get3A_279 = vector.shape_cast %get3A_278 : vector<1x16xf32> to vector<16xf32>
          %sub3A_280 = arith.subf %gather3A_117, %get3A_279 : vector<16xf32>
          %abs3A_281 = math.absf %sub3A_280 : vector<16xf32>
          %add3A_282 = arith.addf %add3A_272, %abs3A_281 : vector<16xf32>
          %mul3A_283 = arith.constant 16 : i32
          %mul3A_284 = arith.muli %scan3A_259, %mul3A_283 : i32
          %get3A_285 = arith.constant 2 : i32
          %get3A_286 = arith.index_cast %get3A_285 : i32 to index
          %get3A_287 = arith.index_cast %mul3A_284 : i32 to index
          %get3A_288 = tpu.vector_load %arg8[%get3A_286, %get3A_287] {strides = array<i32>} : memref<16x3072xf32, #tpu.memory_space<vmem>>, vector<1x16xf32>,
          %get3A_289 = vector.shape_cast %get3A_288 : vector<1x16xf32> to vector<16xf32>
          %sub3A_290 = arith.subf %gather3A_122, %get3A_289 : vector<16xf32>
          %abs3A_291 = math.absf %sub3A_290 : vector<16xf32>
          %add3A_292 = arith.addf %add3A_282, %abs3A_291 : vector<16xf32>
          %mul3A_293 = arith.constant 16 : i32
          %mul3A_294 = arith.muli %scan3A_259, %mul3A_293 : i32
          %get3A_295 = arith.constant 3 : i32
          %get3A_296 = arith.index_cast %get3A_295 : i32 to index
          %get3A_297 = arith.index_cast %mul3A_294 : i32 to index
          %get3A_298 = tpu.vector_load %arg8[%get3A_296, %get3A_297] {strides = array<i32>} : memref<16x3072xf32, #tpu.memory_space<vmem>>, vector<1x16xf32>,
          %get3A_299 = vector.shape_cast %get3A_298 : vector<1x16xf32> to vector<16xf32>
          %sub3A_300 = arith.subf %gather3A_127, %get3A_299 : vector<16xf32>
          %abs3A_301 = math.absf %sub3A_300 : vector<16xf32>
          %add3A_302 = arith.addf %add3A_292, %abs3A_301 : vector<16xf32>
          %mul3A_303 = arith.constant 16 : i32
          %mul3A_304 = arith.muli %scan3A_259, %mul3A_303 : i32
          %get3A_305 = arith.constant 4 : i32
          %get3A_306 = arith.index_cast %get3A_305 : i32 to index
          %get3A_307 = arith.index_cast %mul3A_304 : i32 to index
          %get3A_308 = tpu.vector_load %arg8[%get3A_306, %get3A_307] {strides = array<i32>} : memref<16x3072xf32, #tpu.memory_space<vmem>>, vector<1x16xf32>,
          %get3A_309 = vector.shape_cast %get3A_308 : vector<1x16xf32> to vector<16xf32>
          %sub3A_310 = arith.subf %gather3A_132, %get3A_309 : vector<16xf32>
          %abs3A_311 = math.absf %sub3A_310 : vector<16xf32>
          %add3A_312 = arith.addf %add3A_302, %abs3A_311 : vector<16xf32>
          %mul3A_313 = arith.constant 16 : i32
          %mul3A_314 = arith.muli %scan3A_259, %mul3A_313 : i32
          %get3A_315 = arith.constant 5 : i32
          %get3A_316 = arith.index_cast %get3A_315 : i32 to index
          %get3A_317 = arith.index_cast %mul3A_314 : i32 to index
          %get3A_318 = tpu.vector_load %arg8[%get3A_316, %get3A_317] {strides = array<i32>} : memref<16x3072xf32, #tpu.memory_space<vmem>>, vector<1x16xf32>,
          %get3A_319 = vector.shape_cast %get3A_318 : vector<1x16xf32> to vector<16xf32>
          %sub3A_320 = arith.subf %gather3A_137, %get3A_319 : vector<16xf32>
          %abs3A_321 = math.absf %sub3A_320 : vector<16xf32>
          %add3A_322 = arith.addf %add3A_312, %abs3A_321 : vector<16xf32>
          %mul3A_323 = arith.constant 16 : i32
          %mul3A_324 = arith.muli %scan3A_259, %mul3A_323 : i32
          %get3A_325 = arith.constant 6 : i32
          %get3A_326 = arith.index_cast %get3A_325 : i32 to index
          %get3A_327 = arith.index_cast %mul3A_324 : i32 to index
          %get3A_328 = tpu.vector_load %arg8[%get3A_326, %get3A_327] {strides = array<i32>} : memref<16x3072xf32, #tpu.memory_space<vmem>>, vector<1x16xf32>,
          %get3A_329 = vector.shape_cast %get3A_328 : vector<1x16xf32> to vector<16xf32>
          %sub3A_330 = arith.subf %gather3A_142, %get3A_329 : vector<16xf32>
          %abs3A_331 = math.absf %sub3A_330 : vector<16xf32>
          %add3A_332 = arith.addf %add3A_322, %abs3A_331 : vector<16xf32>
          %mul3A_333 = arith.constant 16 : i32
          %mul3A_334 = arith.muli %scan3A_259, %mul3A_333 : i32
          %get3A_335 = arith.constant 7 : i32
          %get3A_336 = arith.index_cast %get3A_335 : i32 to index
          %get3A_337 = arith.index_cast %mul3A_334 : i32 to index
          %get3A_338 = tpu.vector_load %arg8[%get3A_336, %get3A_337] {strides = array<i32>} : memref<16x3072xf32, #tpu.memory_space<vmem>>, vector<1x16xf32>,
          %get3A_339 = vector.shape_cast %get3A_338 : vector<1x16xf32> to vector<16xf32>
          %sub3A_340 = arith.subf %gather3A_147, %get3A_339 : vector<16xf32>
          %abs3A_341 = math.absf %sub3A_340 : vector<16xf32>
          %add3A_342 = arith.addf %add3A_332, %abs3A_341 : vector<16xf32>
          %mul3A_343 = arith.constant 16 : i32
          %mul3A_344 = arith.muli %scan3A_259, %mul3A_343 : i32
          %get3A_345 = arith.constant 8 : i32
          %get3A_346 = arith.index_cast %get3A_345 : i32 to index
          %get3A_347 = arith.index_cast %mul3A_344 : i32 to index
          %get3A_348 = tpu.vector_load %arg8[%get3A_346, %get3A_347] {strides = array<i32>} : memref<16x3072xf32, #tpu.memory_space<vmem>>, vector<1x16xf32>,
          %get3A_349 = vector.shape_cast %get3A_348 : vector<1x16xf32> to vector<16xf32>
          %sub3A_350 = arith.subf %gather3A_152, %get3A_349 : vector<16xf32>
          %abs3A_351 = math.absf %sub3A_350 : vector<16xf32>
          %add3A_352 = arith.addf %add3A_342, %abs3A_351 : vector<16xf32>
          %mul3A_353 = arith.constant 16 : i32
          %mul3A_354 = arith.muli %scan3A_259, %mul3A_353 : i32
          %get3A_355 = arith.constant 9 : i32
          %get3A_356 = arith.index_cast %get3A_355 : i32 to index
          %get3A_357 = arith.index_cast %mul3A_354 : i32 to index
          %get3A_358 = tpu.vector_load %arg8[%get3A_356, %get3A_357] {strides = array<i32>} : memref<16x3072xf32, #tpu.memory_space<vmem>>, vector<1x16xf32>,
          %get3A_359 = vector.shape_cast %get3A_358 : vector<1x16xf32> to vector<16xf32>
          %sub3A_360 = arith.subf %gather3A_157, %get3A_359 : vector<16xf32>
          %abs3A_361 = math.absf %sub3A_360 : vector<16xf32>
          %add3A_362 = arith.addf %add3A_352, %abs3A_361 : vector<16xf32>
          %mul3A_363 = arith.constant 16 : i32
          %mul3A_364 = arith.muli %scan3A_259, %mul3A_363 : i32
          %get3A_365 = arith.constant 10 : i32
          %get3A_366 = arith.index_cast %get3A_365 : i32 to index
          %get3A_367 = arith.index_cast %mul3A_364 : i32 to index
          %get3A_368 = tpu.vector_load %arg8[%get3A_366, %get3A_367] {strides = array<i32>} : memref<16x3072xf32, #tpu.memory_space<vmem>>, vector<1x16xf32>,
          %get3A_369 = vector.shape_cast %get3A_368 : vector<1x16xf32> to vector<16xf32>
          %sub3A_370 = arith.subf %gather3A_162, %get3A_369 : vector<16xf32>
          %abs3A_371 = math.absf %sub3A_370 : vector<16xf32>
          %add3A_372 = arith.addf %add3A_362, %abs3A_371 : vector<16xf32>
          %mul3A_373 = arith.constant 16 : i32
          %mul3A_374 = arith.muli %scan3A_259, %mul3A_373 : i32
          %get3A_375 = arith.constant 11 : i32
          %get3A_376 = arith.index_cast %get3A_375 : i32 to index
          %get3A_377 = arith.index_cast %mul3A_374 : i32 to index
          %get3A_378 = tpu.vector_load %arg8[%get3A_376, %get3A_377] {strides = array<i32>} : memref<16x3072xf32, #tpu.memory_space<vmem>>, vector<1x16xf32>,
          %get3A_379 = vector.shape_cast %get3A_378 : vector<1x16xf32> to vector<16xf32>
          %sub3A_380 = arith.subf %gather3A_167, %get3A_379 : vector<16xf32>
          %abs3A_381 = math.absf %sub3A_380 : vector<16xf32>
          %add3A_382 = arith.addf %add3A_372, %abs3A_381 : vector<16xf32>
          %mul3A_383 = arith.constant 16 : i32
          %mul3A_384 = arith.muli %scan3A_259, %mul3A_383 : i32
          %get3A_385 = arith.constant 12 : i32
          %get3A_386 = arith.index_cast %get3A_385 : i32 to index
          %get3A_387 = arith.index_cast %mul3A_384 : i32 to index
          %get3A_388 = tpu.vector_load %arg8[%get3A_386, %get3A_387] {strides = array<i32>} : memref<16x3072xf32, #tpu.memory_space<vmem>>, vector<1x16xf32>,
          %get3A_389 = vector.shape_cast %get3A_388 : vector<1x16xf32> to vector<16xf32>
          %sub3A_390 = arith.subf %gather3A_172, %get3A_389 : vector<16xf32>
          %abs3A_391 = math.absf %sub3A_390 : vector<16xf32>
          %add3A_392 = arith.addf %add3A_382, %abs3A_391 : vector<16xf32>
          %mul3A_393 = arith.constant 16 : i32
          %mul3A_394 = arith.muli %scan3A_259, %mul3A_393 : i32
          %get3A_395 = arith.constant 13 : i32
          %get3A_396 = arith.index_cast %get3A_395 : i32 to index
          %get3A_397 = arith.index_cast %mul3A_394 : i32 to index
          %get3A_398 = tpu.vector_load %arg8[%get3A_396, %get3A_397] {strides = array<i32>} : memref<16x3072xf32, #tpu.memory_space<vmem>>, vector<1x16xf32>,
          %get3A_399 = vector.shape_cast %get3A_398 : vector<1x16xf32> to vector<16xf32>
          %sub3A_400 = arith.subf %gather3A_177, %get3A_399 : vector<16xf32>
          %abs3A_401 = math.absf %sub3A_400 : vector<16xf32>
          %add3A_402 = arith.addf %add3A_392, %abs3A_401 : vector<16xf32>
          %mul3A_403 = arith.constant 16 : i32
          %mul3A_404 = arith.muli %scan3A_259, %mul3A_403 : i32
          %get3A_405 = arith.constant 14 : i32
          %get3A_406 = arith.index_cast %get3A_405 : i32 to index
          %get3A_407 = arith.index_cast %mul3A_404 : i32 to index
          %get3A_408 = tpu.vector_load %arg8[%get3A_406, %get3A_407] {strides = array<i32>} : memref<16x3072xf32, #tpu.memory_space<vmem>>, vector<1x16xf32>,
          %get3A_409 = vector.shape_cast %get3A_408 : vector<1x16xf32> to vector<16xf32>
          %sub3A_410 = arith.subf %gather3A_182, %get3A_409 : vector<16xf32>
          %abs3A_411 = math.absf %sub3A_410 : vector<16xf32>
          %add3A_412 = arith.addf %add3A_402, %abs3A_411 : vector<16xf32>
          %mul3A_413 = arith.constant 16 : i32
          %mul3A_414 = arith.muli %scan3A_259, %mul3A_413 : i32
          %get3A_415 = arith.constant 15 : i32
          %get3A_416 = arith.index_cast %get3A_415 : i32 to index
          %get3A_417 = arith.index_cast %mul3A_414 : i32 to index
          %get3A_418 = tpu.vector_load %arg8[%get3A_416, %get3A_417] {strides = array<i32>} : memref<16x3072xf32, #tpu.memory_space<vmem>>, vector<1x16xf32>,
          %get3A_419 = vector.shape_cast %get3A_418 : vector<1x16xf32> to vector<16xf32>
          %sub3A_420 = arith.subf %gather3A_187, %get3A_419 : vector<16xf32>
          %abs3A_421 = math.absf %sub3A_420 : vector<16xf32>
          %add3A_422 = arith.addf %add3A_412, %abs3A_421 : vector<16xf32>
          %mul3A_423 = arith.constant 16 : i32
          %mul3A_424 = arith.muli %scan3A_259, %mul3A_423 : i32
          %add3A_425 = arith.constant 5120 : i32
          %add3A_426 = arith.addi %mul3A_424, %add3A_425 : i32
          %add3A_427 = vector.broadcast %add3A_426 : i32 to vector<16xi32>
          %add3A_428 = arith.addi %iota3A, %add3A_427 : vector<16xi32>
          %lt3A = arith.cmpf olt, %add3A_422, %scan3A_260 : vector<16xf32>
          %select_n3A_429 = arith.select %lt3A, %add3A_422, %scan3A_260 : vector<16xi1>, vector<16xf32>
          %select_n3A_430 = arith.select %lt3A, %add3A_428, %scan3A_261 : vector<16xi1>, vector<16xi32>
          scf.yield %select_n3A_429, %select_n3A_430 : vector<16xf32>, vector<16xi32>
        }
        %scan3A_197 = arith.constant 192 : i32
        %xor3A_198 = arith.constant 1 : i32
        %xor3A_199 = vector.broadcast %xor3A_198 : i32 to vector<16xi32>
        %xor3A_200 = arith.xori %iota3A, %xor3A_199 : vector<16xi32>
        %reshape3A_201 = vector.shape_cast %xor3A_200 : vector<16xi32> to vector<16x1xi32>
        %gather3A_202 = vector.shape_cast %reshape3A_201 : vector<16x1xi32> to vector<16xi32>
        %gather3A_203 = tpu.dynamic_gather %scan3A_196#0[%gather3A_202] in [0] : vector<16xf32>, vector<16xi32> -> vector<16xf32>
        %min3A_204 = arith.minimumf %scan3A_196#0, %gather3A_203 : vector<16xf32>
        %xor3A_205 = arith.constant 2 : i32
        %xor3A_206 = vector.broadcast %xor3A_205 : i32 to vector<16xi32>
        %xor3A_207 = arith.xori %iota3A, %xor3A_206 : vector<16xi32>
        %reshape3A_208 = vector.shape_cast %xor3A_207 : vector<16xi32> to vector<16x1xi32>
        %gather3A_209 = vector.shape_cast %reshape3A_208 : vector<16x1xi32> to vector<16xi32>
        %gather3A_210 = tpu.dynamic_gather %min3A_204[%gather3A_209] in [0] : vector<16xf32>, vector<16xi32> -> vector<16xf32>
        %min3A_211 = arith.minimumf %min3A_204, %gather3A_210 : vector<16xf32>
        %xor3A_212 = arith.constant 4 : i32
        %xor3A_213 = vector.broadcast %xor3A_212 : i32 to vector<16xi32>
        %xor3A_214 = arith.xori %iota3A, %xor3A_213 : vector<16xi32>
        %reshape3A_215 = vector.shape_cast %xor3A_214 : vector<16xi32> to vector<16x1xi32>
        %gather3A_216 = vector.shape_cast %reshape3A_215 : vector<16x1xi32> to vector<16xi32>
        %gather3A_217 = tpu.dynamic_gather %min3A_211[%gather3A_216] in [0] : vector<16xf32>, vector<16xi32> -> vector<16xf32>
        %min3A_218 = arith.minimumf %min3A_211, %gather3A_217 : vector<16xf32>
        %xor3A_219 = arith.constant 8 : i32
        %xor3A_220 = vector.broadcast %xor3A_219 : i32 to vector<16xi32>
        %xor3A_221 = arith.xori %iota3A, %xor3A_220 : vector<16xi32>
        %reshape3A_222 = vector.shape_cast %xor3A_221 : vector<16xi32> to vector<16x1xi32>
        %gather3A_223 = vector.shape_cast %reshape3A_222 : vector<16x1xi32> to vector<16xi32>
        %gather3A_224 = tpu.dynamic_gather %min3A_218[%gather3A_223] in [0] : vector<16xf32>, vector<16xi32> -> vector<16xf32>
        %min3A_225 = arith.minimumf %min3A_218, %gather3A_224 : vector<16xf32>
        %eq3A = arith.cmpf oeq, %scan3A_196#0, %min3A_225 : vector<16xf32>
        %jit3A = arith.constant 16384 : i32
        %broadcast_in_dim3A_226 = vector.broadcast %jit3A : i32 to vector<16xi32>
        %select_n3A = arith.select %eq3A, %scan3A_196#1, %broadcast_in_dim3A_226 : vector<16xi1>, vector<16xi32>
        %xor3A_227 = arith.constant 1 : i32
        %xor3A_228 = vector.broadcast %xor3A_227 : i32 to vector<16xi32>
        %xor3A_229 = arith.xori %iota3A, %xor3A_228 : vector<16xi32>
        %reshape3A_230 = vector.shape_cast %xor3A_229 : vector<16xi32> to vector<16x1xi32>
        %gather3A_231 = vector.shape_cast %reshape3A_230 : vector<16x1xi32> to vector<16xi32>
        %gather3A_232 = tpu.dynamic_gather %select_n3A[%gather3A_231] in [0] : vector<16xi32>, vector<16xi32> -> vector<16xi32>
        %min3A_233 = arith.minsi %select_n3A, %gather3A_232 : vector<16xi32>
        %xor3A_234 = arith.constant 2 : i32
        %xor3A_235 = vector.broadcast %xor3A_234 : i32 to vector<16xi32>
        %xor3A_236 = arith.xori %iota3A, %xor3A_235 : vector<16xi32>
        %reshape3A_237 = vector.shape_cast %xor3A_236 : vector<16xi32> to vector<16x1xi32>
        %gather3A_238 = vector.shape_cast %reshape3A_237 : vector<16x1xi32> to vector<16xi32>
        %gather3A_239 = tpu.dynamic_gather %min3A_233[%gather3A_238] in [0] : vector<16xi32>, vector<16xi32> -> vector<16xi32>
        %min3A_240 = arith.minsi %min3A_233, %gather3A_239 : vector<16xi32>
        %xor3A_241 = arith.constant 4 : i32
        %xor3A_242 = vector.broadcast %xor3A_241 : i32 to vector<16xi32>
        %xor3A_243 = arith.xori %iota3A, %xor3A_242 : vector<16xi32>
        %reshape3A_244 = vector.shape_cast %xor3A_243 : vector<16xi32> to vector<16x1xi32>
        %gather3A_245 = vector.shape_cast %reshape3A_244 : vector<16x1xi32> to vector<16xi32>
        %gather3A_246 = tpu.dynamic_gather %min3A_240[%gather3A_245] in [0] : vector<16xi32>, vector<16xi32> -> vector<16xi32>
        %min3A_247 = arith.minsi %min3A_240, %gather3A_246 : vector<16xi32>
        %xor3A_248 = arith.constant 8 : i32
        %xor3A_249 = vector.broadcast %xor3A_248 : i32 to vector<16xi32>
        %xor3A_250 = arith.xori %iota3A, %xor3A_249 : vector<16xi32>
        %reshape3A_251 = vector.shape_cast %xor3A_250 : vector<16xi32> to vector<16x1xi32>
        %gather3A_252 = vector.shape_cast %reshape3A_251 : vector<16x1xi32> to vector<16xi32>
        %gather3A_253 = tpu.dynamic_gather %min3A_247[%gather3A_252] in [0] : vector<16xi32>, vector<16xi32> -> vector<16xi32>
        %min3A_254 = arith.minsi %min3A_247, %gather3A_253 : vector<16xi32>
        %eq3A_255 = vector.broadcast %scan3A_44 : i32 to vector<16xi32>
        %eq3A_256 = arith.cmpi eq, %iota3A, %eq3A_255 : vector<16xi32>
        %select_n3A_257 = arith.select %eq3A_256, %min3A_225, %scan3A_45 : vector<16xi1>, vector<16xf32>
        %select_n3A_258 = arith.select %eq3A_256, %min3A_254, %scan3A_46 : vector<16xi1>, vector<16xi32>
        scf.yield %select_n3A_257, %select_n3A_258 : vector<16xf32>, vector<16xi32>
      }
      %scan3A_23 = arith.constant 16 : i32
      %mul3A_24 = arith.constant 16 : i32
      %mul3A_25 = arith.muli %scan3A_13, %mul3A_24 : i32
      %swap3A = arith.index_cast %mul3A_25 : i32 to index
      %swap3A_26 = tpu.vector_load %arg10[%swap3A] {strides = array<i32>} : memref<64xf32, #tpu.memory_space<vmem>>, vector<16xf32>,
      %swap3A_27 = vector.shape_cast %swap3A_26 : vector<16xf32> to vector<16xf32>
      %swap3A_28 = vector.shape_cast %scan3A_22#0 : vector<16xf32> to vector<16xf32>
      tpu.vector_store %arg10[%swap3A], %swap3A_28 {strides = array<i32>} : memref<64xf32, #tpu.memory_space<vmem>>, vector<16xf32>,
      %mul3A_29 = arith.constant 16 : i32
      %mul3A_30 = arith.muli %scan3A_13, %mul3A_29 : i32
      %swap3A_31 = arith.index_cast %mul3A_30 : i32 to index
      %swap3A_32 = tpu.vector_load %arg11[%swap3A_31] {strides = array<i32>} : memref<64xi32, #tpu.memory_space<vmem>>, vector<16xi32>,
      %swap3A_33 = vector.shape_cast %swap3A_32 : vector<16xi32> to vector<16xi32>
      %swap3A_34 = vector.shape_cast %scan3A_22#1 : vector<16xi32> to vector<16xi32>
      tpu.vector_store %arg11[%swap3A_31], %swap3A_34 {strides = array<i32>} : memref<64xi32, #tpu.memory_space<vmem>>, vector<16xi32>,
      %shift_right_logical3A = arith.constant 1 : i32
      %shift_right_logical3A_35 = vector.broadcast %shift_right_logical3A : i32 to vector<16xi32>
      %shift_right_logical3A_36 = arith.shrui %scan3A_22#1, %shift_right_logical3A_35 : vector<16xi32>
      %mul3A_37 = arith.constant 16 : i32
      %mul3A_38 = arith.muli %scan3A_13, %mul3A_37 : i32
      %swap3A_39 = arith.index_cast %mul3A_38 : i32 to index
      %swap3A_40 = tpu.vector_load %arg12[%swap3A_39] {strides = array<i32>} : memref<64xi32, #tpu.memory_space<vmem>>, vector<16xi32>,
      %swap3A_41 = vector.shape_cast %swap3A_40 : vector<16xi32> to vector<16xi32>
      %swap3A_42 = vector.shape_cast %shift_right_logical3A_36 : vector<16xi32> to vector<16xi32>
      tpu.vector_store %arg12[%swap3A_39], %swap3A_42 {strides = array<i32>} : memref<64xi32, #tpu.memory_space<vmem>>, vector<16xi32>,
      %scan3A_43 = arith.constant 0 : i32
      scf.yield %scan3A_43 : i32
    }
    %scan3A_8 = arith.constant 4 : i32
    %dma_start3A = arith.constant 0 : i32
    %dma_start3A_9 = arith.constant 0 : i32
    %dma_start3A_10 = tpu.memref_slice %arg4[%dma_start3A, %dma_start3A_9] : memref<4096x128xf32, #tpu.memory_space<hbm>> -> memref<4096x128xf32, #tpu.memory_space<hbm>>
    tpu.enqueue_indirect_dma source(%dma_start3A_10 : memref<4096x128xf32, #tpu.memory_space<hbm>>) target(%arg13 : memref<64x128xf32, #tpu.memory_space<vmem>>) offsets(%arg12 : memref<64xi32, #tpu.memory_space<vmem>>) semaphore(%arg14 : memref<!tpu.dma_semaphore, #tpu.memory_space<semaphore_mem>>)
    %dma_wait3A = arith.constant 0 : i32
    %dma_wait3A_11 = arith.constant 0 : i32
    %dma_wait3A_12 = tpu.memref_slice %arg4[%dma_wait3A, %dma_wait3A_11] : memref<4096x128xf32, #tpu.memory_space<hbm>> -> memref<4096x128xf32, #tpu.memory_space<hbm>>
    tpu.wait_indirect_dma semaphore(%arg14 : memref<!tpu.dma_semaphore, #tpu.memory_space<semaphore_mem>>) src(%dma_wait3A_12 : memref<4096x128xf32, #tpu.memory_space<hbm>>) dst(%arg13 : memref<64x128xf32, #tpu.memory_space<vmem>>)
    "tpu.region"() ({
      %run_scoped3A = tpu.sem_alloc : memref<!tpu.dma_semaphore, #tpu.memory_space<semaphore_mem>>
      %dma_start3A_13 = tpu.memref_slice %arg5[%mul3A_2] : memref<2048xf32, #tpu.memory_space<hbm>> -> memref<64xf32, #tpu.memory_space<hbm>>
      %dma_start3A_14 = tpu.memref_slice %arg5[%mul3A_2] : memref<2048xf32, #tpu.memory_space<hbm>> -> memref<64xf32, #tpu.memory_space<hbm>>
      tpu.enqueue_dma source(%arg10 : memref<64xf32, #tpu.memory_space<vmem>>) target(%dma_start3A_14 : memref<64xf32, #tpu.memory_space<hbm>>) target_semaphore(%run_scoped3A : memref<!tpu.dma_semaphore, #tpu.memory_space<semaphore_mem>>)
      %dma_wait3A_15 = tpu.memref_slice %arg5[%mul3A_2] : memref<2048xf32, #tpu.memory_space<hbm>> -> memref<64xf32, #tpu.memory_space<hbm>>
      %dma_wait3A_16 = tpu.memref_slice %arg5[%mul3A_2] : memref<2048xf32, #tpu.memory_space<hbm>> -> memref<64xf32, #tpu.memory_space<hbm>>
      tpu.wait_dma2 semaphore(%run_scoped3A : memref<!tpu.dma_semaphore, #tpu.memory_space<semaphore_mem>>) src(%arg10 : memref<64xf32, #tpu.memory_space<vmem>>) dst(%dma_wait3A_16 : memref<64xf32, #tpu.memory_space<hbm>>)
      tpu.yield
    }) : () -> ()
    "tpu.region"() ({
      %run_scoped3A = tpu.sem_alloc : memref<!tpu.dma_semaphore, #tpu.memory_space<semaphore_mem>>
      %dma_start3A_13 = tpu.memref_slice %arg6[%mul3A_2] : memref<2048xi32, #tpu.memory_space<hbm>> -> memref<64xi32, #tpu.memory_space<hbm>>
      %dma_start3A_14 = tpu.memref_slice %arg6[%mul3A_2] : memref<2048xi32, #tpu.memory_space<hbm>> -> memref<64xi32, #tpu.memory_space<hbm>>
      tpu.enqueue_dma source(%arg11 : memref<64xi32, #tpu.memory_space<vmem>>) target(%dma_start3A_14 : memref<64xi32, #tpu.memory_space<hbm>>) target_semaphore(%run_scoped3A : memref<!tpu.dma_semaphore, #tpu.memory_space<semaphore_mem>>)
      %dma_wait3A_15 = tpu.memref_slice %arg6[%mul3A_2] : memref<2048xi32, #tpu.memory_space<hbm>> -> memref<64xi32, #tpu.memory_space<hbm>>
      %dma_wait3A_16 = tpu.memref_slice %arg6[%mul3A_2] : memref<2048xi32, #tpu.memory_space<hbm>> -> memref<64xi32, #tpu.memory_space<hbm>>
      tpu.wait_dma2 semaphore(%run_scoped3A : memref<!tpu.dma_semaphore, #tpu.memory_space<semaphore_mem>>) src(%arg11 : memref<64xi32, #tpu.memory_space<vmem>>) dst(%dma_wait3A_16 : memref<64xi32, #tpu.memory_space<hbm>>)
      tpu.yield
    }) : () -> ()
    "tpu.region"() ({
      %run_scoped3A = tpu.sem_alloc : memref<!tpu.dma_semaphore, #tpu.memory_space<semaphore_mem>>
      %dma_start3A_13 = arith.constant 0 : i32
      %dma_start3A_14 = tpu.memref_slice %arg7[%mul3A_2, %dma_start3A_13] : memref<2048x128xf32, #tpu.memory_space<hbm>> -> memref<64x128xf32, #tpu.memory_space<hbm>>
      %dma_start3A_15 = arith.constant 0 : i32
      %dma_start3A_16 = tpu.memref_slice %arg7[%mul3A_2, %dma_start3A_15] : memref<2048x128xf32, #tpu.memory_space<hbm>> -> memref<64x128xf32, #tpu.memory_space<hbm>>
      tpu.enqueue_dma source(%arg13 : memref<64x128xf32, #tpu.memory_space<vmem>>) target(%dma_start3A_16 : memref<64x128xf32, #tpu.memory_space<hbm>>) target_semaphore(%run_scoped3A : memref<!tpu.dma_semaphore, #tpu.memory_space<semaphore_mem>>)
      %dma_wait3A_17 = arith.constant 0 : i32
      %dma_wait3A_18 = tpu.memref_slice %arg7[%mul3A_2, %dma_wait3A_17] : memref<2048x128xf32, #tpu.memory_space<hbm>> -> memref<64x128xf32, #tpu.memory_space<hbm>>
      %dma_wait3A_19 = arith.constant 0 : i32
      %dma_wait3A_20 = tpu.memref_slice %arg7[%mul3A_2, %dma_wait3A_19] : memref<2048x128xf32, #tpu.memory_space<hbm>> -> memref<64x128xf32, #tpu.memory_space<hbm>>
      tpu.wait_dma2 semaphore(%run_scoped3A : memref<!tpu.dma_semaphore, #tpu.memory_space<semaphore_mem>>) src(%arg13 : memref<64x128xf32, #tpu.memory_space<vmem>>) dst(%dma_wait3A_20 : memref<64x128xf32, #tpu.memory_space<hbm>>)
      tpu.yield
    }) : () -> ()
    return
  }
}

module attributes {stable_mosaic.version = 14 : i64} {
  func.func @_main_body(%arg0: i32, %arg1: memref<1x256x16xf32, #tpu.memory_space<vmem>>, %arg2: memref<16x5120xf32, #tpu.memory_space<vmem>>, %arg3: memref<5120x64xbf16, #tpu.memory_space<vmem>>, %arg4: memref<5120x64xbf16, #tpu.memory_space<vmem>>, %arg5: memref<9x64xf32, #tpu.memory_space<vmem>>, %arg6: memref<9x256x256xf32, #tpu.memory_space<vmem>>, %arg7: memref<256x64xf32, #tpu.memory_space<vmem>>, %arg8: memref<1x256x64xf32, #tpu.memory_space<vmem>>, %arg9: memref<1x256x1xf32, #tpu.memory_space<vmem>>, %arg10: memref<1x256x64xf32, #tpu.memory_space<vmem>>) attributes {dimension_semantics = [#tpu.dimension_semantics<arbitrary>], iteration_bounds = array<i64: 8>, scalar_prefetch = 0 : i64, scratch_operands = 0 : i64, tpu.core_type = #tpu.core_type<tc>, window_params = [{transform_indices = @transform_0, window_bounds = array<i64: 1, 256, 16>}, {pipeline_mode = #tpu.pipeline_mode<synchronous>, transform_indices = @transform_1, window_bounds = array<i64: 16, 5120>}, {pipeline_mode = #tpu.pipeline_mode<synchronous>, transform_indices = @transform_2, window_bounds = array<i64: 5120, 64>}, {pipeline_mode = #tpu.pipeline_mode<synchronous>, transform_indices = @transform_3, window_bounds = array<i64: 5120, 64>}, {pipeline_mode = #tpu.pipeline_mode<synchronous>, transform_indices = @transform_4, window_bounds = array<i64: 9, 64>}, {pipeline_mode = #tpu.pipeline_mode<synchronous>, transform_indices = @transform_5, window_bounds = array<i64: 9, 256, 256>}, {pipeline_mode = #tpu.pipeline_mode<synchronous>, transform_indices = @transform_6, window_bounds = array<i64: 256, 64>}, {transform_indices = @transform_7, window_bounds = array<i64: 1, 256, 64>}, {transform_indices = @transform_8, window_bounds = array<i64: 1, 256, 1>}, {transform_indices = @transform_9, window_bounds = array<i64: 1, 256, 64>}]} {
    %get3A = arith.constant 0 : index
    %get3A_0 = arith.constant 0 : index
    %get3A_1 = arith.constant 0 : index
    %get3A_2 = vector.load %arg1[%get3A, %get3A_0, %get3A_1] : memref<1x256x16xf32, #tpu.memory_space<vmem>>, vector<1x256x16xf32>
    %get3A_3 = vector.shape_cast %get3A_2 : vector<1x256x16xf32> to vector<256x16xf32>
    %reduce_min3A = arith.constant dense<0x7F800000> : vector<256xf32>
    %reduce_min3A_4 = vector.multi_reduction <minimumf>, %get3A_3, %reduce_min3A [1] : vector<256x16xf32> to vector<256xf32>
    %broadcast_in_dim3A = vector.shape_cast %reduce_min3A_4 : vector<256xf32> to vector<256x1xf32>
    %reduce_max3A = arith.constant dense<0xFF800000> : vector<256xf32>
    %reduce_max3A_5 = vector.multi_reduction <maximumf>, %get3A_3, %reduce_max3A [1] : vector<256x16xf32> to vector<256xf32>
    %broadcast_in_dim3A_6 = vector.shape_cast %reduce_max3A_5 : vector<256xf32> to vector<256x1xf32>
    %sub3A = vector.broadcast %broadcast_in_dim3A : vector<256x1xf32> to vector<256x16xf32>
    %sub3A_7 = arith.subf %get3A_3, %sub3A : vector<256x16xf32>
    %sub3A_8 = arith.subf %broadcast_in_dim3A_6, %broadcast_in_dim3A : vector<256x1xf32>
    %add3A = arith.constant 9.99999993E-9 : f32
    %add3A_9 = vector.broadcast %add3A : f32 to vector<256x1xf32>
    %add3A_10 = arith.addf %sub3A_8, %add3A_9 : vector<256x1xf32>
    %div3A = vector.broadcast %add3A_10 : vector<256x1xf32> to vector<256x16xf32>
    %div3A_11 = arith.divf %sub3A_7, %div3A : vector<256x16xf32>
    %broadcast_in_dim3A_12 = arith.constant 0.000000e+00 : f32
    %broadcast_in_dim3A_13 = vector.broadcast %broadcast_in_dim3A_12 : f32 to vector<256x5120xf32>
    %slice3A = vector.extract_strided_slice %div3A_11 {offsets = [0, 0], sizes = [256, 1], strides = [1, 1]} : vector<256x16xf32> to vector<256x1xf32>
    %get3A_14 = arith.constant 0 : index
    %get3A_15 = arith.constant 0 : index
    %get3A_16 = vector.load %arg2[%get3A_14, %get3A_15] : memref<16x5120xf32, #tpu.memory_space<vmem>>, vector<1x5120xf32>
    %sub3A_17 = vector.broadcast %slice3A : vector<256x1xf32> to vector<256x5120xf32>
    %sub3A_18 = vector.broadcast %get3A_16 : vector<1x5120xf32> to vector<256x5120xf32>
    %sub3A_19 = arith.subf %sub3A_17, %sub3A_18 : vector<256x5120xf32>
    %abs3A = math.absf %sub3A_19 : vector<256x5120xf32>
    %add3A_20 = arith.addf %broadcast_in_dim3A_13, %abs3A : vector<256x5120xf32>
    %slice3A_21 = vector.extract_strided_slice %div3A_11 {offsets = [0, 1], sizes = [256, 1], strides = [1, 1]} : vector<256x16xf32> to vector<256x1xf32>
    %get3A_22 = arith.constant 1 : index
    %get3A_23 = arith.constant 0 : index
    %get3A_24 = vector.load %arg2[%get3A_22, %get3A_23] : memref<16x5120xf32, #tpu.memory_space<vmem>>, vector<1x5120xf32>
    %sub3A_25 = vector.broadcast %slice3A_21 : vector<256x1xf32> to vector<256x5120xf32>
    %sub3A_26 = vector.broadcast %get3A_24 : vector<1x5120xf32> to vector<256x5120xf32>
    %sub3A_27 = arith.subf %sub3A_25, %sub3A_26 : vector<256x5120xf32>
    %abs3A_28 = math.absf %sub3A_27 : vector<256x5120xf32>
    %add3A_29 = arith.addf %add3A_20, %abs3A_28 : vector<256x5120xf32>
    %slice3A_30 = vector.extract_strided_slice %div3A_11 {offsets = [0, 2], sizes = [256, 1], strides = [1, 1]} : vector<256x16xf32> to vector<256x1xf32>
    %get3A_31 = arith.constant 2 : index
    %get3A_32 = arith.constant 0 : index
    %get3A_33 = vector.load %arg2[%get3A_31, %get3A_32] : memref<16x5120xf32, #tpu.memory_space<vmem>>, vector<1x5120xf32>
    %sub3A_34 = vector.broadcast %slice3A_30 : vector<256x1xf32> to vector<256x5120xf32>
    %sub3A_35 = vector.broadcast %get3A_33 : vector<1x5120xf32> to vector<256x5120xf32>
    %sub3A_36 = arith.subf %sub3A_34, %sub3A_35 : vector<256x5120xf32>
    %abs3A_37 = math.absf %sub3A_36 : vector<256x5120xf32>
    %add3A_38 = arith.addf %add3A_29, %abs3A_37 : vector<256x5120xf32>
    %slice3A_39 = vector.extract_strided_slice %div3A_11 {offsets = [0, 3], sizes = [256, 1], strides = [1, 1]} : vector<256x16xf32> to vector<256x1xf32>
    %get3A_40 = arith.constant 3 : index
    %get3A_41 = arith.constant 0 : index
    %get3A_42 = vector.load %arg2[%get3A_40, %get3A_41] : memref<16x5120xf32, #tpu.memory_space<vmem>>, vector<1x5120xf32>
    %sub3A_43 = vector.broadcast %slice3A_39 : vector<256x1xf32> to vector<256x5120xf32>
    %sub3A_44 = vector.broadcast %get3A_42 : vector<1x5120xf32> to vector<256x5120xf32>
    %sub3A_45 = arith.subf %sub3A_43, %sub3A_44 : vector<256x5120xf32>
    %abs3A_46 = math.absf %sub3A_45 : vector<256x5120xf32>
    %add3A_47 = arith.addf %add3A_38, %abs3A_46 : vector<256x5120xf32>
    %slice3A_48 = vector.extract_strided_slice %div3A_11 {offsets = [0, 4], sizes = [256, 1], strides = [1, 1]} : vector<256x16xf32> to vector<256x1xf32>
    %get3A_49 = arith.constant 4 : index
    %get3A_50 = arith.constant 0 : index
    %get3A_51 = vector.load %arg2[%get3A_49, %get3A_50] : memref<16x5120xf32, #tpu.memory_space<vmem>>, vector<1x5120xf32>
    %sub3A_52 = vector.broadcast %slice3A_48 : vector<256x1xf32> to vector<256x5120xf32>
    %sub3A_53 = vector.broadcast %get3A_51 : vector<1x5120xf32> to vector<256x5120xf32>
    %sub3A_54 = arith.subf %sub3A_52, %sub3A_53 : vector<256x5120xf32>
    %abs3A_55 = math.absf %sub3A_54 : vector<256x5120xf32>
    %add3A_56 = arith.addf %add3A_47, %abs3A_55 : vector<256x5120xf32>
    %slice3A_57 = vector.extract_strided_slice %div3A_11 {offsets = [0, 5], sizes = [256, 1], strides = [1, 1]} : vector<256x16xf32> to vector<256x1xf32>
    %get3A_58 = arith.constant 5 : index
    %get3A_59 = arith.constant 0 : index
    %get3A_60 = vector.load %arg2[%get3A_58, %get3A_59] : memref<16x5120xf32, #tpu.memory_space<vmem>>, vector<1x5120xf32>
    %sub3A_61 = vector.broadcast %slice3A_57 : vector<256x1xf32> to vector<256x5120xf32>
    %sub3A_62 = vector.broadcast %get3A_60 : vector<1x5120xf32> to vector<256x5120xf32>
    %sub3A_63 = arith.subf %sub3A_61, %sub3A_62 : vector<256x5120xf32>
    %abs3A_64 = math.absf %sub3A_63 : vector<256x5120xf32>
    %add3A_65 = arith.addf %add3A_56, %abs3A_64 : vector<256x5120xf32>
    %slice3A_66 = vector.extract_strided_slice %div3A_11 {offsets = [0, 6], sizes = [256, 1], strides = [1, 1]} : vector<256x16xf32> to vector<256x1xf32>
    %get3A_67 = arith.constant 6 : index
    %get3A_68 = arith.constant 0 : index
    %get3A_69 = vector.load %arg2[%get3A_67, %get3A_68] : memref<16x5120xf32, #tpu.memory_space<vmem>>, vector<1x5120xf32>
    %sub3A_70 = vector.broadcast %slice3A_66 : vector<256x1xf32> to vector<256x5120xf32>
    %sub3A_71 = vector.broadcast %get3A_69 : vector<1x5120xf32> to vector<256x5120xf32>
    %sub3A_72 = arith.subf %sub3A_70, %sub3A_71 : vector<256x5120xf32>
    %abs3A_73 = math.absf %sub3A_72 : vector<256x5120xf32>
    %add3A_74 = arith.addf %add3A_65, %abs3A_73 : vector<256x5120xf32>
    %slice3A_75 = vector.extract_strided_slice %div3A_11 {offsets = [0, 7], sizes = [256, 1], strides = [1, 1]} : vector<256x16xf32> to vector<256x1xf32>
    %get3A_76 = arith.constant 7 : index
    %get3A_77 = arith.constant 0 : index
    %get3A_78 = vector.load %arg2[%get3A_76, %get3A_77] : memref<16x5120xf32, #tpu.memory_space<vmem>>, vector<1x5120xf32>
    %sub3A_79 = vector.broadcast %slice3A_75 : vector<256x1xf32> to vector<256x5120xf32>
    %sub3A_80 = vector.broadcast %get3A_78 : vector<1x5120xf32> to vector<256x5120xf32>
    %sub3A_81 = arith.subf %sub3A_79, %sub3A_80 : vector<256x5120xf32>
    %abs3A_82 = math.absf %sub3A_81 : vector<256x5120xf32>
    %add3A_83 = arith.addf %add3A_74, %abs3A_82 : vector<256x5120xf32>
    %slice3A_84 = vector.extract_strided_slice %div3A_11 {offsets = [0, 8], sizes = [256, 1], strides = [1, 1]} : vector<256x16xf32> to vector<256x1xf32>
    %get3A_85 = arith.constant 8 : index
    %get3A_86 = arith.constant 0 : index
    %get3A_87 = vector.load %arg2[%get3A_85, %get3A_86] : memref<16x5120xf32, #tpu.memory_space<vmem>>, vector<1x5120xf32>
    %sub3A_88 = vector.broadcast %slice3A_84 : vector<256x1xf32> to vector<256x5120xf32>
    %sub3A_89 = vector.broadcast %get3A_87 : vector<1x5120xf32> to vector<256x5120xf32>
    %sub3A_90 = arith.subf %sub3A_88, %sub3A_89 : vector<256x5120xf32>
    %abs3A_91 = math.absf %sub3A_90 : vector<256x5120xf32>
    %add3A_92 = arith.addf %add3A_83, %abs3A_91 : vector<256x5120xf32>
    %slice3A_93 = vector.extract_strided_slice %div3A_11 {offsets = [0, 9], sizes = [256, 1], strides = [1, 1]} : vector<256x16xf32> to vector<256x1xf32>
    %get3A_94 = arith.constant 9 : index
    %get3A_95 = arith.constant 0 : index
    %get3A_96 = vector.load %arg2[%get3A_94, %get3A_95] : memref<16x5120xf32, #tpu.memory_space<vmem>>, vector<1x5120xf32>
    %sub3A_97 = vector.broadcast %slice3A_93 : vector<256x1xf32> to vector<256x5120xf32>
    %sub3A_98 = vector.broadcast %get3A_96 : vector<1x5120xf32> to vector<256x5120xf32>
    %sub3A_99 = arith.subf %sub3A_97, %sub3A_98 : vector<256x5120xf32>
    %abs3A_100 = math.absf %sub3A_99 : vector<256x5120xf32>
    %add3A_101 = arith.addf %add3A_92, %abs3A_100 : vector<256x5120xf32>
    %slice3A_102 = vector.extract_strided_slice %div3A_11 {offsets = [0, 10], sizes = [256, 1], strides = [1, 1]} : vector<256x16xf32> to vector<256x1xf32>
    %get3A_103 = arith.constant 10 : index
    %get3A_104 = arith.constant 0 : index
    %get3A_105 = vector.load %arg2[%get3A_103, %get3A_104] : memref<16x5120xf32, #tpu.memory_space<vmem>>, vector<1x5120xf32>
    %sub3A_106 = vector.broadcast %slice3A_102 : vector<256x1xf32> to vector<256x5120xf32>
    %sub3A_107 = vector.broadcast %get3A_105 : vector<1x5120xf32> to vector<256x5120xf32>
    %sub3A_108 = arith.subf %sub3A_106, %sub3A_107 : vector<256x5120xf32>
    %abs3A_109 = math.absf %sub3A_108 : vector<256x5120xf32>
    %add3A_110 = arith.addf %add3A_101, %abs3A_109 : vector<256x5120xf32>
    %slice3A_111 = vector.extract_strided_slice %div3A_11 {offsets = [0, 11], sizes = [256, 1], strides = [1, 1]} : vector<256x16xf32> to vector<256x1xf32>
    %get3A_112 = arith.constant 11 : index
    %get3A_113 = arith.constant 0 : index
    %get3A_114 = vector.load %arg2[%get3A_112, %get3A_113] : memref<16x5120xf32, #tpu.memory_space<vmem>>, vector<1x5120xf32>
    %sub3A_115 = vector.broadcast %slice3A_111 : vector<256x1xf32> to vector<256x5120xf32>
    %sub3A_116 = vector.broadcast %get3A_114 : vector<1x5120xf32> to vector<256x5120xf32>
    %sub3A_117 = arith.subf %sub3A_115, %sub3A_116 : vector<256x5120xf32>
    %abs3A_118 = math.absf %sub3A_117 : vector<256x5120xf32>
    %add3A_119 = arith.addf %add3A_110, %abs3A_118 : vector<256x5120xf32>
    %slice3A_120 = vector.extract_strided_slice %div3A_11 {offsets = [0, 12], sizes = [256, 1], strides = [1, 1]} : vector<256x16xf32> to vector<256x1xf32>
    %get3A_121 = arith.constant 12 : index
    %get3A_122 = arith.constant 0 : index
    %get3A_123 = vector.load %arg2[%get3A_121, %get3A_122] : memref<16x5120xf32, #tpu.memory_space<vmem>>, vector<1x5120xf32>
    %sub3A_124 = vector.broadcast %slice3A_120 : vector<256x1xf32> to vector<256x5120xf32>
    %sub3A_125 = vector.broadcast %get3A_123 : vector<1x5120xf32> to vector<256x5120xf32>
    %sub3A_126 = arith.subf %sub3A_124, %sub3A_125 : vector<256x5120xf32>
    %abs3A_127 = math.absf %sub3A_126 : vector<256x5120xf32>
    %add3A_128 = arith.addf %add3A_119, %abs3A_127 : vector<256x5120xf32>
    %slice3A_129 = vector.extract_strided_slice %div3A_11 {offsets = [0, 13], sizes = [256, 1], strides = [1, 1]} : vector<256x16xf32> to vector<256x1xf32>
    %get3A_130 = arith.constant 13 : index
    %get3A_131 = arith.constant 0 : index
    %get3A_132 = vector.load %arg2[%get3A_130, %get3A_131] : memref<16x5120xf32, #tpu.memory_space<vmem>>, vector<1x5120xf32>
    %sub3A_133 = vector.broadcast %slice3A_129 : vector<256x1xf32> to vector<256x5120xf32>
    %sub3A_134 = vector.broadcast %get3A_132 : vector<1x5120xf32> to vector<256x5120xf32>
    %sub3A_135 = arith.subf %sub3A_133, %sub3A_134 : vector<256x5120xf32>
    %abs3A_136 = math.absf %sub3A_135 : vector<256x5120xf32>
    %add3A_137 = arith.addf %add3A_128, %abs3A_136 : vector<256x5120xf32>
    %slice3A_138 = vector.extract_strided_slice %div3A_11 {offsets = [0, 14], sizes = [256, 1], strides = [1, 1]} : vector<256x16xf32> to vector<256x1xf32>
    %get3A_139 = arith.constant 14 : index
    %get3A_140 = arith.constant 0 : index
    %get3A_141 = vector.load %arg2[%get3A_139, %get3A_140] : memref<16x5120xf32, #tpu.memory_space<vmem>>, vector<1x5120xf32>
    %sub3A_142 = vector.broadcast %slice3A_138 : vector<256x1xf32> to vector<256x5120xf32>
    %sub3A_143 = vector.broadcast %get3A_141 : vector<1x5120xf32> to vector<256x5120xf32>
    %sub3A_144 = arith.subf %sub3A_142, %sub3A_143 : vector<256x5120xf32>
    %abs3A_145 = math.absf %sub3A_144 : vector<256x5120xf32>
    %add3A_146 = arith.addf %add3A_137, %abs3A_145 : vector<256x5120xf32>
    %slice3A_147 = vector.extract_strided_slice %div3A_11 {offsets = [0, 15], sizes = [256, 1], strides = [1, 1]} : vector<256x16xf32> to vector<256x1xf32>
    %get3A_148 = arith.constant 15 : index
    %get3A_149 = arith.constant 0 : index
    %get3A_150 = vector.load %arg2[%get3A_148, %get3A_149] : memref<16x5120xf32, #tpu.memory_space<vmem>>, vector<1x5120xf32>
    %sub3A_151 = vector.broadcast %slice3A_147 : vector<256x1xf32> to vector<256x5120xf32>
    %sub3A_152 = vector.broadcast %get3A_150 : vector<1x5120xf32> to vector<256x5120xf32>
    %sub3A_153 = arith.subf %sub3A_151, %sub3A_152 : vector<256x5120xf32>
    %abs3A_154 = math.absf %sub3A_153 : vector<256x5120xf32>
    %add3A_155 = arith.addf %add3A_146, %abs3A_154 : vector<256x5120xf32>
    %reduce_min3A_156 = arith.constant dense<0x7F800000> : vector<256xf32>
    %reduce_min3A_157 = vector.multi_reduction <minimumf>, %add3A_155, %reduce_min3A_156 [1] : vector<256x5120xf32> to vector<256xf32>
    %broadcast_in_dim3A_158 = vector.shape_cast %reduce_min3A_157 : vector<256xf32> to vector<256x1xf32>
    %swap3A = arith.constant 0 : index
    %swap3A_159 = arith.constant 0 : index
    %swap3A_160 = arith.constant 0 : index
    %swap3A_161 = vector.load %arg9[%swap3A, %swap3A_159, %swap3A_160] : memref<1x256x1xf32, #tpu.memory_space<vmem>>, vector<1x256x1xf32>
    %swap3A_162 = vector.shape_cast %swap3A_161 : vector<1x256x1xf32> to vector<256x1xf32>
    %swap3A_163 = vector.shape_cast %broadcast_in_dim3A_158 : vector<256x1xf32> to vector<1x256x1xf32>
    tpu.vector_store %arg9[%swap3A, %swap3A_159, %swap3A_160], %swap3A_163 {strides = array<i32>} : memref<1x256x1xf32, #tpu.memory_space<vmem>>, vector<1x256x1xf32>,
    %argmin3A = tpu.reduce_index %add3A_155 {axis = 1 : i32, kind = #tpu.reduction_kind<arg_min>} : vector<256x5120xf32> -> vector<256xi32>
    %broadcast_in_dim3A_164 = vector.shape_cast %argmin3A : vector<256xi32> to vector<256x1xi32>
    %iota3A = tpu.iota {dimensions = array<i32: 1>} : vector<256x5120xi32>
    %eq3A = vector.broadcast %broadcast_in_dim3A_164 : vector<256x1xi32> to vector<256x5120xi32>
    %eq3A_165 = arith.cmpi eq, %iota3A, %eq3A : vector<256x5120xi32>
    %convert_element_type3A = arith.extui %eq3A_165 : vector<256x5120xi1> to vector<256x5120xi32>
    %convert_element_type3A_166 = arith.sitofp %convert_element_type3A : vector<256x5120xi32> to vector<256x5120xf32>
    %convert_element_type3A_167 = arith.truncf %convert_element_type3A_166 : vector<256x5120xf32> to vector<256x5120xbf16>
    %get3A_168 = arith.constant 0 : index
    %get3A_169 = arith.constant 0 : index
    %get3A_170 = vector.load %arg3[%get3A_168, %get3A_169] : memref<5120x64xbf16, #tpu.memory_space<vmem>>, vector<5120x64xbf16>
    %dot_general3A = arith.constant dense<0.000000e+00> : vector<256x64xf32>
    %dot_general3A_171 = tpu.matmul %convert_element_type3A_167, %get3A_170, %dot_general3A {dimension_numbers = #tpu.dot_dimension_numbers<[1], [0], [0], [1], [0, 0, 1, 1], [], []>, transpose_lhs_hint = false} : vector<256x5120xbf16>, vector<5120x64xbf16>, vector<256x64xf32> -> vector<256x64xf32>
    %get3A_172 = arith.constant 0 : index
    %get3A_173 = arith.constant 0 : index
    %get3A_174 = vector.load %arg4[%get3A_172, %get3A_173] : memref<5120x64xbf16, #tpu.memory_space<vmem>>, vector<5120x64xbf16>
    %dot_general3A_175 = arith.constant dense<0.000000e+00> : vector<256x64xf32>
    %dot_general3A_176 = tpu.matmul %convert_element_type3A_167, %get3A_174, %dot_general3A_175 {dimension_numbers = #tpu.dot_dimension_numbers<[1], [0], [0], [1], [0, 0, 1, 1], [], []>, transpose_lhs_hint = false} : vector<256x5120xbf16>, vector<5120x64xbf16>, vector<256x64xf32> -> vector<256x64xf32>
    %add3A_177 = arith.addf %dot_general3A_171, %dot_general3A_176 : vector<256x64xf32>
    %swap3A_178 = arith.constant 0 : index
    %swap3A_179 = arith.constant 0 : index
    %swap3A_180 = arith.constant 0 : index
    %swap3A_181 = vector.load %arg8[%swap3A_178, %swap3A_179, %swap3A_180] : memref<1x256x64xf32, #tpu.memory_space<vmem>>, vector<1x256x64xf32>
    %swap3A_182 = vector.shape_cast %swap3A_181 : vector<1x256x64xf32> to vector<256x64xf32>
    %swap3A_183 = vector.shape_cast %add3A_177 : vector<256x64xf32> to vector<1x256x64xf32>
    tpu.vector_store %arg8[%swap3A_178, %swap3A_179, %swap3A_180], %swap3A_183 {strides = array<i32>} : memref<1x256x64xf32, #tpu.memory_space<vmem>>, vector<1x256x64xf32>,
    %reduce_sum3A = arith.constant dense<0.000000e+00> : vector<256xf32>
    %reduce_sum3A_184 = vector.multi_reduction <add>, %get3A_3, %reduce_sum3A [1] : vector<256x16xf32> to vector<256xf32>
    %broadcast_in_dim3A_185 = vector.shape_cast %reduce_sum3A_184 : vector<256xf32> to vector<256x1xf32>
    %broadcast_in_dim3A_186 = arith.constant 0.000000e+00 : f32
    %broadcast_in_dim3A_187 = vector.broadcast %broadcast_in_dim3A_186 : f32 to vector<256x64xf32>
    %get3A_188 = arith.constant 0 : index
    %get3A_189 = arith.constant 0 : index
    %get3A_190 = arith.constant 0 : index
    %get3A_191 = vector.load %arg6[%get3A_188, %get3A_189, %get3A_190] : memref<9x256x256xf32, #tpu.memory_space<vmem>>, vector<1x256x256xf32>
    %get3A_192 = vector.shape_cast %get3A_191 : vector<1x256x256xf32> to vector<256x256xf32>
    %dot_general3A_193 = arith.constant dense<0.000000e+00> : vector<256x1xf32>
    %dot_general3A_194 = tpu.matmul %get3A_192, %broadcast_in_dim3A_185, %dot_general3A_193 {dimension_numbers = #tpu.dot_dimension_numbers<[1], [0], [0], [1], [0, 0, 1, 1], [], []>, precision = #tpu.contract_precision<fp32>, transpose_lhs_hint = false} : vector<256x256xf32>, vector<256x1xf32>, vector<256x1xf32> -> vector<256x1xf32>
    %get3A_195 = arith.constant 0 : index
    %get3A_196 = arith.constant 0 : index
    %get3A_197 = vector.load %arg5[%get3A_195, %get3A_196] : memref<9x64xf32, #tpu.memory_space<vmem>>, vector<1x64xf32>
    %mul3A = vector.broadcast %dot_general3A_194 : vector<256x1xf32> to vector<256x64xf32>
    %mul3A_198 = vector.broadcast %get3A_197 : vector<1x64xf32> to vector<256x64xf32>
    %mul3A_199 = arith.mulf %mul3A, %mul3A_198 : vector<256x64xf32>
    %add3A_200 = arith.addf %broadcast_in_dim3A_187, %mul3A_199 : vector<256x64xf32>
    %get3A_201 = arith.constant 1 : index
    %get3A_202 = arith.constant 0 : index
    %get3A_203 = arith.constant 0 : index
    %get3A_204 = vector.load %arg6[%get3A_201, %get3A_202, %get3A_203] : memref<9x256x256xf32, #tpu.memory_space<vmem>>, vector<1x256x256xf32>
    %get3A_205 = vector.shape_cast %get3A_204 : vector<1x256x256xf32> to vector<256x256xf32>
    %dot_general3A_206 = arith.constant dense<0.000000e+00> : vector<256x1xf32>
    %dot_general3A_207 = tpu.matmul %get3A_205, %broadcast_in_dim3A_185, %dot_general3A_206 {dimension_numbers = #tpu.dot_dimension_numbers<[1], [0], [0], [1], [0, 0, 1, 1], [], []>, precision = #tpu.contract_precision<fp32>, transpose_lhs_hint = false} : vector<256x256xf32>, vector<256x1xf32>, vector<256x1xf32> -> vector<256x1xf32>
    %get3A_208 = arith.constant 1 : index
    %get3A_209 = arith.constant 0 : index
    %get3A_210 = vector.load %arg5[%get3A_208, %get3A_209] : memref<9x64xf32, #tpu.memory_space<vmem>>, vector<1x64xf32>
    %mul3A_211 = vector.broadcast %dot_general3A_207 : vector<256x1xf32> to vector<256x64xf32>
    %mul3A_212 = vector.broadcast %get3A_210 : vector<1x64xf32> to vector<256x64xf32>
    %mul3A_213 = arith.mulf %mul3A_211, %mul3A_212 : vector<256x64xf32>
    %add3A_214 = arith.addf %add3A_200, %mul3A_213 : vector<256x64xf32>
    %get3A_215 = arith.constant 2 : index
    %get3A_216 = arith.constant 0 : index
    %get3A_217 = arith.constant 0 : index
    %get3A_218 = vector.load %arg6[%get3A_215, %get3A_216, %get3A_217] : memref<9x256x256xf32, #tpu.memory_space<vmem>>, vector<1x256x256xf32>
    %get3A_219 = vector.shape_cast %get3A_218 : vector<1x256x256xf32> to vector<256x256xf32>
    %dot_general3A_220 = arith.constant dense<0.000000e+00> : vector<256x1xf32>
    %dot_general3A_221 = tpu.matmul %get3A_219, %broadcast_in_dim3A_185, %dot_general3A_220 {dimension_numbers = #tpu.dot_dimension_numbers<[1], [0], [0], [1], [0, 0, 1, 1], [], []>, precision = #tpu.contract_precision<fp32>, transpose_lhs_hint = false} : vector<256x256xf32>, vector<256x1xf32>, vector<256x1xf32> -> vector<256x1xf32>
    %get3A_222 = arith.constant 2 : index
    %get3A_223 = arith.constant 0 : index
    %get3A_224 = vector.load %arg5[%get3A_222, %get3A_223] : memref<9x64xf32, #tpu.memory_space<vmem>>, vector<1x64xf32>
    %mul3A_225 = vector.broadcast %dot_general3A_221 : vector<256x1xf32> to vector<256x64xf32>
    %mul3A_226 = vector.broadcast %get3A_224 : vector<1x64xf32> to vector<256x64xf32>
    %mul3A_227 = arith.mulf %mul3A_225, %mul3A_226 : vector<256x64xf32>
    %add3A_228 = arith.addf %add3A_214, %mul3A_227 : vector<256x64xf32>
    %get3A_229 = arith.constant 3 : index
    %get3A_230 = arith.constant 0 : index
    %get3A_231 = arith.constant 0 : index
    %get3A_232 = vector.load %arg6[%get3A_229, %get3A_230, %get3A_231] : memref<9x256x256xf32, #tpu.memory_space<vmem>>, vector<1x256x256xf32>
    %get3A_233 = vector.shape_cast %get3A_232 : vector<1x256x256xf32> to vector<256x256xf32>
    %dot_general3A_234 = arith.constant dense<0.000000e+00> : vector<256x1xf32>
    %dot_general3A_235 = tpu.matmul %get3A_233, %broadcast_in_dim3A_185, %dot_general3A_234 {dimension_numbers = #tpu.dot_dimension_numbers<[1], [0], [0], [1], [0, 0, 1, 1], [], []>, precision = #tpu.contract_precision<fp32>, transpose_lhs_hint = false} : vector<256x256xf32>, vector<256x1xf32>, vector<256x1xf32> -> vector<256x1xf32>
    %get3A_236 = arith.constant 3 : index
    %get3A_237 = arith.constant 0 : index
    %get3A_238 = vector.load %arg5[%get3A_236, %get3A_237] : memref<9x64xf32, #tpu.memory_space<vmem>>, vector<1x64xf32>
    %mul3A_239 = vector.broadcast %dot_general3A_235 : vector<256x1xf32> to vector<256x64xf32>
    %mul3A_240 = vector.broadcast %get3A_238 : vector<1x64xf32> to vector<256x64xf32>
    %mul3A_241 = arith.mulf %mul3A_239, %mul3A_240 : vector<256x64xf32>
    %add3A_242 = arith.addf %add3A_228, %mul3A_241 : vector<256x64xf32>
    %get3A_243 = arith.constant 4 : index
    %get3A_244 = arith.constant 0 : index
    %get3A_245 = arith.constant 0 : index
    %get3A_246 = vector.load %arg6[%get3A_243, %get3A_244, %get3A_245] : memref<9x256x256xf32, #tpu.memory_space<vmem>>, vector<1x256x256xf32>
    %get3A_247 = vector.shape_cast %get3A_246 : vector<1x256x256xf32> to vector<256x256xf32>
    %dot_general3A_248 = arith.constant dense<0.000000e+00> : vector<256x1xf32>
    %dot_general3A_249 = tpu.matmul %get3A_247, %broadcast_in_dim3A_185, %dot_general3A_248 {dimension_numbers = #tpu.dot_dimension_numbers<[1], [0], [0], [1], [0, 0, 1, 1], [], []>, precision = #tpu.contract_precision<fp32>, transpose_lhs_hint = false} : vector<256x256xf32>, vector<256x1xf32>, vector<256x1xf32> -> vector<256x1xf32>
    %get3A_250 = arith.constant 4 : index
    %get3A_251 = arith.constant 0 : index
    %get3A_252 = vector.load %arg5[%get3A_250, %get3A_251] : memref<9x64xf32, #tpu.memory_space<vmem>>, vector<1x64xf32>
    %mul3A_253 = vector.broadcast %dot_general3A_249 : vector<256x1xf32> to vector<256x64xf32>
    %mul3A_254 = vector.broadcast %get3A_252 : vector<1x64xf32> to vector<256x64xf32>
    %mul3A_255 = arith.mulf %mul3A_253, %mul3A_254 : vector<256x64xf32>
    %add3A_256 = arith.addf %add3A_242, %mul3A_255 : vector<256x64xf32>
    %get3A_257 = arith.constant 5 : index
    %get3A_258 = arith.constant 0 : index
    %get3A_259 = arith.constant 0 : index
    %get3A_260 = vector.load %arg6[%get3A_257, %get3A_258, %get3A_259] : memref<9x256x256xf32, #tpu.memory_space<vmem>>, vector<1x256x256xf32>
    %get3A_261 = vector.shape_cast %get3A_260 : vector<1x256x256xf32> to vector<256x256xf32>
    %dot_general3A_262 = arith.constant dense<0.000000e+00> : vector<256x1xf32>
    %dot_general3A_263 = tpu.matmul %get3A_261, %broadcast_in_dim3A_185, %dot_general3A_262 {dimension_numbers = #tpu.dot_dimension_numbers<[1], [0], [0], [1], [0, 0, 1, 1], [], []>, precision = #tpu.contract_precision<fp32>, transpose_lhs_hint = false} : vector<256x256xf32>, vector<256x1xf32>, vector<256x1xf32> -> vector<256x1xf32>
    %get3A_264 = arith.constant 5 : index
    %get3A_265 = arith.constant 0 : index
    %get3A_266 = vector.load %arg5[%get3A_264, %get3A_265] : memref<9x64xf32, #tpu.memory_space<vmem>>, vector<1x64xf32>
    %mul3A_267 = vector.broadcast %dot_general3A_263 : vector<256x1xf32> to vector<256x64xf32>
    %mul3A_268 = vector.broadcast %get3A_266 : vector<1x64xf32> to vector<256x64xf32>
    %mul3A_269 = arith.mulf %mul3A_267, %mul3A_268 : vector<256x64xf32>
    %add3A_270 = arith.addf %add3A_256, %mul3A_269 : vector<256x64xf32>
    %get3A_271 = arith.constant 6 : index
    %get3A_272 = arith.constant 0 : index
    %get3A_273 = arith.constant 0 : index
    %get3A_274 = vector.load %arg6[%get3A_271, %get3A_272, %get3A_273] : memref<9x256x256xf32, #tpu.memory_space<vmem>>, vector<1x256x256xf32>
    %get3A_275 = vector.shape_cast %get3A_274 : vector<1x256x256xf32> to vector<256x256xf32>
    %dot_general3A_276 = arith.constant dense<0.000000e+00> : vector<256x1xf32>
    %dot_general3A_277 = tpu.matmul %get3A_275, %broadcast_in_dim3A_185, %dot_general3A_276 {dimension_numbers = #tpu.dot_dimension_numbers<[1], [0], [0], [1], [0, 0, 1, 1], [], []>, precision = #tpu.contract_precision<fp32>, transpose_lhs_hint = false} : vector<256x256xf32>, vector<256x1xf32>, vector<256x1xf32> -> vector<256x1xf32>
    %get3A_278 = arith.constant 6 : index
    %get3A_279 = arith.constant 0 : index
    %get3A_280 = vector.load %arg5[%get3A_278, %get3A_279] : memref<9x64xf32, #tpu.memory_space<vmem>>, vector<1x64xf32>
    %mul3A_281 = vector.broadcast %dot_general3A_277 : vector<256x1xf32> to vector<256x64xf32>
    %mul3A_282 = vector.broadcast %get3A_280 : vector<1x64xf32> to vector<256x64xf32>
    %mul3A_283 = arith.mulf %mul3A_281, %mul3A_282 : vector<256x64xf32>
    %add3A_284 = arith.addf %add3A_270, %mul3A_283 : vector<256x64xf32>
    %get3A_285 = arith.constant 7 : index
    %get3A_286 = arith.constant 0 : index
    %get3A_287 = arith.constant 0 : index
    %get3A_288 = vector.load %arg6[%get3A_285, %get3A_286, %get3A_287] : memref<9x256x256xf32, #tpu.memory_space<vmem>>, vector<1x256x256xf32>
    %get3A_289 = vector.shape_cast %get3A_288 : vector<1x256x256xf32> to vector<256x256xf32>
    %dot_general3A_290 = arith.constant dense<0.000000e+00> : vector<256x1xf32>
    %dot_general3A_291 = tpu.matmul %get3A_289, %broadcast_in_dim3A_185, %dot_general3A_290 {dimension_numbers = #tpu.dot_dimension_numbers<[1], [0], [0], [1], [0, 0, 1, 1], [], []>, precision = #tpu.contract_precision<fp32>, transpose_lhs_hint = false} : vector<256x256xf32>, vector<256x1xf32>, vector<256x1xf32> -> vector<256x1xf32>
    %get3A_292 = arith.constant 7 : index
    %get3A_293 = arith.constant 0 : index
    %get3A_294 = vector.load %arg5[%get3A_292, %get3A_293] : memref<9x64xf32, #tpu.memory_space<vmem>>, vector<1x64xf32>
    %mul3A_295 = vector.broadcast %dot_general3A_291 : vector<256x1xf32> to vector<256x64xf32>
    %mul3A_296 = vector.broadcast %get3A_294 : vector<1x64xf32> to vector<256x64xf32>
    %mul3A_297 = arith.mulf %mul3A_295, %mul3A_296 : vector<256x64xf32>
    %add3A_298 = arith.addf %add3A_284, %mul3A_297 : vector<256x64xf32>
    %get3A_299 = arith.constant 8 : index
    %get3A_300 = arith.constant 0 : index
    %get3A_301 = arith.constant 0 : index
    %get3A_302 = vector.load %arg6[%get3A_299, %get3A_300, %get3A_301] : memref<9x256x256xf32, #tpu.memory_space<vmem>>, vector<1x256x256xf32>
    %get3A_303 = vector.shape_cast %get3A_302 : vector<1x256x256xf32> to vector<256x256xf32>
    %dot_general3A_304 = arith.constant dense<0.000000e+00> : vector<256x1xf32>
    %dot_general3A_305 = tpu.matmul %get3A_303, %broadcast_in_dim3A_185, %dot_general3A_304 {dimension_numbers = #tpu.dot_dimension_numbers<[1], [0], [0], [1], [0, 0, 1, 1], [], []>, precision = #tpu.contract_precision<fp32>, transpose_lhs_hint = false} : vector<256x256xf32>, vector<256x1xf32>, vector<256x1xf32> -> vector<256x1xf32>
    %get3A_306 = arith.constant 8 : index
    %get3A_307 = arith.constant 0 : index
    %get3A_308 = vector.load %arg5[%get3A_306, %get3A_307] : memref<9x64xf32, #tpu.memory_space<vmem>>, vector<1x64xf32>
    %mul3A_309 = vector.broadcast %dot_general3A_305 : vector<256x1xf32> to vector<256x64xf32>
    %mul3A_310 = vector.broadcast %get3A_308 : vector<1x64xf32> to vector<256x64xf32>
    %mul3A_311 = arith.mulf %mul3A_309, %mul3A_310 : vector<256x64xf32>
    %add3A_312 = arith.addf %add3A_298, %mul3A_311 : vector<256x64xf32>
    %reduce_sum3A_313 = arith.constant dense<0.000000e+00> : vector<256xf32>
    %reduce_sum3A_314 = vector.multi_reduction <add>, %add3A_312, %reduce_sum3A_313 [1] : vector<256x64xf32> to vector<256xf32>
    %broadcast_in_dim3A_315 = vector.shape_cast %reduce_sum3A_314 : vector<256xf32> to vector<256x1xf32>
    %div3A_316 = arith.constant 6.400000e+01 : f32
    %div3A_317 = vector.broadcast %div3A_316 : f32 to vector<256x1xf32>
    %div3A_318 = arith.divf %broadcast_in_dim3A_315, %div3A_317 : vector<256x1xf32>
    %sub3A_319 = vector.broadcast %div3A_318 : vector<256x1xf32> to vector<256x64xf32>
    %sub3A_320 = arith.subf %add3A_312, %sub3A_319 : vector<256x64xf32>
    %sub3A_321 = vector.broadcast %div3A_318 : vector<256x1xf32> to vector<256x64xf32>
    %sub3A_322 = arith.subf %add3A_312, %sub3A_321 : vector<256x64xf32>
    %mul3A_323 = arith.mulf %sub3A_320, %sub3A_322 : vector<256x64xf32>
    %reduce_sum3A_324 = arith.constant dense<0.000000e+00> : vector<256xf32>
    %reduce_sum3A_325 = vector.multi_reduction <add>, %mul3A_323, %reduce_sum3A_324 [1] : vector<256x64xf32> to vector<256xf32>
    %broadcast_in_dim3A_326 = vector.shape_cast %reduce_sum3A_325 : vector<256xf32> to vector<256x1xf32>
    %div3A_327 = arith.constant 6.400000e+01 : f32
    %div3A_328 = vector.broadcast %div3A_327 : f32 to vector<256x1xf32>
    %div3A_329 = arith.divf %broadcast_in_dim3A_326, %div3A_328 : vector<256x1xf32>
    %sub3A_330 = vector.broadcast %div3A_318 : vector<256x1xf32> to vector<256x64xf32>
    %sub3A_331 = arith.subf %add3A_312, %sub3A_330 : vector<256x64xf32>
    %add3A_332 = arith.constant 9.99999974E-6 : f32
    %add3A_333 = vector.broadcast %add3A_332 : f32 to vector<256x1xf32>
    %add3A_334 = arith.addf %div3A_329, %add3A_333 : vector<256x1xf32>
    %sqrt3A = math.sqrt %add3A_334 : vector<256x1xf32>
    %div3A_335 = vector.broadcast %sqrt3A : vector<256x1xf32> to vector<256x64xf32>
    %div3A_336 = arith.divf %sub3A_331, %div3A_335 : vector<256x64xf32>
    %get3A_337 = arith.constant 0 : index
    %get3A_338 = arith.constant 0 : index
    %get3A_339 = vector.load %arg7[%get3A_337, %get3A_338] : memref<256x64xf32, #tpu.memory_space<vmem>>, vector<256x64xf32>
    %add3A_340 = arith.addf %div3A_336, %get3A_339 : vector<256x64xf32>
    %swap3A_341 = arith.constant 0 : index
    %swap3A_342 = arith.constant 0 : index
    %swap3A_343 = arith.constant 0 : index
    %swap3A_344 = vector.load %arg10[%swap3A_341, %swap3A_342, %swap3A_343] : memref<1x256x64xf32, #tpu.memory_space<vmem>>, vector<1x256x64xf32>
    %swap3A_345 = vector.shape_cast %swap3A_344 : vector<1x256x64xf32> to vector<256x64xf32>
    %swap3A_346 = vector.shape_cast %add3A_340 : vector<256x64xf32> to vector<1x256x64xf32>
    tpu.vector_store %arg10[%swap3A_341, %swap3A_342, %swap3A_343], %swap3A_346 {strides = array<i32>} : memref<1x256x64xf32, #tpu.memory_space<vmem>>, vector<1x256x64xf32>,
    return
  }
  func.func @transform_0(%arg0: i32) -> (i32, i32, i32) {
    %c0_i32 = arith.constant 0 : i32
    %c0_i32_0 = arith.constant 0 : i32
    %c0_i32_1 = arith.constant 0 : i32
    return %arg0, %c0_i32, %c0_i32_0 : i32, i32, i32
  }
  func.func @transform_1(%arg0: i32) -> (i32, i32) {
    %c0_i32 = arith.constant 0 : i32
    %c0_i32_0 = arith.constant 0 : i32
    %c0_i32_1 = arith.constant 0 : i32
    return %c0_i32, %c0_i32_0 : i32, i32
  }
  func.func @transform_2(%arg0: i32) -> (i32, i32) {
    %c0_i32 = arith.constant 0 : i32
    %c0_i32_0 = arith.constant 0 : i32
    %c0_i32_1 = arith.constant 0 : i32
    return %c0_i32, %c0_i32_0 : i32, i32
  }
  func.func @transform_3(%arg0: i32) -> (i32, i32) {
    %c0_i32 = arith.constant 0 : i32
    %c0_i32_0 = arith.constant 0 : i32
    %c0_i32_1 = arith.constant 0 : i32
    return %c0_i32, %c0_i32_0 : i32, i32
  }
  func.func @transform_4(%arg0: i32) -> (i32, i32) {
    %c0_i32 = arith.constant 0 : i32
    %c0_i32_0 = arith.constant 0 : i32
    %c0_i32_1 = arith.constant 0 : i32
    return %c0_i32, %c0_i32_0 : i32, i32
  }
  func.func @transform_5(%arg0: i32) -> (i32, i32, i32) {
    %c0_i32 = arith.constant 0 : i32
    %c0_i32_0 = arith.constant 0 : i32
    %c0_i32_1 = arith.constant 0 : i32
    %c0_i32_2 = arith.constant 0 : i32
    return %c0_i32, %c0_i32_0, %c0_i32_1 : i32, i32, i32
  }
  func.func @transform_6(%arg0: i32) -> (i32, i32) {
    %c0_i32 = arith.constant 0 : i32
    %c0_i32_0 = arith.constant 0 : i32
    %c0_i32_1 = arith.constant 0 : i32
    return %c0_i32, %c0_i32_0 : i32, i32
  }
  func.func @transform_7(%arg0: i32) -> (i32, i32, i32) {
    %c0_i32 = arith.constant 0 : i32
    %c0_i32_0 = arith.constant 0 : i32
    %c0_i32_1 = arith.constant 0 : i32
    return %arg0, %c0_i32, %c0_i32_0 : i32, i32, i32
  }
  func.func @transform_8(%arg0: i32) -> (i32, i32, i32) {
    %c0_i32 = arith.constant 0 : i32
    %c0_i32_0 = arith.constant 0 : i32
    %c0_i32_1 = arith.constant 0 : i32
    return %arg0, %c0_i32, %c0_i32_0 : i32, i32, i32
  }
  func.func @transform_9(%arg0: i32) -> (i32, i32, i32) {
    %c0_i32 = arith.constant 0 : i32
    %c0_i32_0 = arith.constant 0 : i32
    %c0_i32_1 = arith.constant 0 : i32
    return %arg0, %c0_i32, %c0_i32_0 : i32, i32, i32
  }
}

module attributes {stable_mosaic.version = 14 : i64} {
  func.func @_epilogue_body(%arg0: memref<2048x128xf32, #tpu.memory_space<vmem>>, %arg1: memref<2048x1xi32, #tpu.memory_space<vmem>>, %arg2: memref<2048x1xf32, #tpu.memory_space<vmem>>, %arg3: memref<2048x64xf32, #tpu.memory_space<vmem>>, %arg4: memref<2048x1xf32, #tpu.memory_space<vmem>>, %arg5: memref<2048x64xf32, #tpu.memory_space<vmem>>, %arg6: memref<2048x64xf32, #tpu.memory_space<vmem>>) attributes {dimension_semantics = [], scalar_prefetch = 0 : i64, scratch_operands = 0 : i64, tpu.core_type = #tpu.core_type<tc>} {
    %get3A = arith.constant 0 : index
    %get3A_0 = arith.constant 0 : index
    %get3A_1 = vector.load %arg1[%get3A, %get3A_0] : memref<2048x1xi32, #tpu.memory_space<vmem>>, vector<2048x1xi32>
    %eq3A = arith.constant 1 : i32
    %eq3A_2 = vector.broadcast %eq3A : i32 to vector<2048x1xi32>
    %eq3A_3 = arith.cmpi eq, %get3A_1, %eq3A_2 : vector<2048x1xi32>
    %get3A_4 = arith.constant 0 : index
    %get3A_5 = arith.constant 64 : index
    %get3A_6 = vector.load %arg0[%get3A_4, %get3A_5] : memref<2048x128xf32, #tpu.memory_space<vmem>>, vector<2048x64xf32>
    %get3A_7 = arith.constant 0 : index
    %get3A_8 = arith.constant 0 : index
    %get3A_9 = vector.load %arg0[%get3A_7, %get3A_8] : memref<2048x128xf32, #tpu.memory_space<vmem>>, vector<2048x64xf32>
    %broadcast_in_dim3A = vector.shape_cast %eq3A_3 : vector<2048x1xi1> to vector<2048x1xi1>
    %broadcast_in_dim3A_10 = vector.broadcast %broadcast_in_dim3A : vector<2048x1xi1> to vector<2048x64xi1>
    %select_n3A = arith.select %broadcast_in_dim3A_10, %get3A_6, %get3A_9 : vector<2048x64xi1>, vector<2048x64xf32>
    %get3A_11 = arith.constant 0 : index
    %get3A_12 = arith.constant 0 : index
    %get3A_13 = vector.load %arg2[%get3A_11, %get3A_12] : memref<2048x1xf32, #tpu.memory_space<vmem>>, vector<2048x1xf32>
    %get3A_14 = arith.constant 0 : index
    %get3A_15 = arith.constant 0 : index
    %get3A_16 = vector.load %arg4[%get3A_14, %get3A_15] : memref<2048x1xf32, #tpu.memory_space<vmem>>, vector<2048x1xf32>
    %lt3A = arith.cmpf olt, %get3A_13, %get3A_16 : vector<2048x1xf32>
    %get3A_17 = arith.constant 0 : index
    %get3A_18 = arith.constant 0 : index
    %get3A_19 = vector.load %arg3[%get3A_17, %get3A_18] : memref<2048x64xf32, #tpu.memory_space<vmem>>, vector<2048x64xf32>
    %broadcast_in_dim3A_20 = vector.shape_cast %lt3A : vector<2048x1xi1> to vector<2048x1xi1>
    %broadcast_in_dim3A_21 = vector.broadcast %broadcast_in_dim3A_20 : vector<2048x1xi1> to vector<2048x64xi1>
    %select_n3A_22 = arith.select %broadcast_in_dim3A_21, %select_n3A, %get3A_19 : vector<2048x64xi1>, vector<2048x64xf32>
    %get3A_23 = arith.constant 0 : index
    %get3A_24 = arith.constant 0 : index
    %get3A_25 = vector.load %arg5[%get3A_23, %get3A_24] : memref<2048x64xf32, #tpu.memory_space<vmem>>, vector<2048x64xf32>
    %add3A = arith.addf %select_n3A_22, %get3A_25 : vector<2048x64xf32>
    %reduce_sum3A = arith.constant dense<0.000000e+00> : vector<2048xf32>
    %reduce_sum3A_26 = vector.multi_reduction <add>, %add3A, %reduce_sum3A [1] : vector<2048x64xf32> to vector<2048xf32>
    %broadcast_in_dim3A_27 = vector.shape_cast %reduce_sum3A_26 : vector<2048xf32> to vector<2048x1xf32>
    %div3A = arith.constant 6.400000e+01 : f32
    %div3A_28 = vector.broadcast %div3A : f32 to vector<2048x1xf32>
    %div3A_29 = arith.divf %broadcast_in_dim3A_27, %div3A_28 : vector<2048x1xf32>
    %sub3A = vector.broadcast %div3A_29 : vector<2048x1xf32> to vector<2048x64xf32>
    %sub3A_30 = arith.subf %add3A, %sub3A : vector<2048x64xf32>
    %sub3A_31 = vector.broadcast %div3A_29 : vector<2048x1xf32> to vector<2048x64xf32>
    %sub3A_32 = arith.subf %add3A, %sub3A_31 : vector<2048x64xf32>
    %mul3A = arith.mulf %sub3A_30, %sub3A_32 : vector<2048x64xf32>
    %reduce_sum3A_33 = arith.constant dense<0.000000e+00> : vector<2048xf32>
    %reduce_sum3A_34 = vector.multi_reduction <add>, %mul3A, %reduce_sum3A_33 [1] : vector<2048x64xf32> to vector<2048xf32>
    %broadcast_in_dim3A_35 = vector.shape_cast %reduce_sum3A_34 : vector<2048xf32> to vector<2048x1xf32>
    %div3A_36 = arith.constant 6.400000e+01 : f32
    %div3A_37 = vector.broadcast %div3A_36 : f32 to vector<2048x1xf32>
    %div3A_38 = arith.divf %broadcast_in_dim3A_35, %div3A_37 : vector<2048x1xf32>
    %sub3A_39 = vector.broadcast %div3A_29 : vector<2048x1xf32> to vector<2048x64xf32>
    %sub3A_40 = arith.subf %add3A, %sub3A_39 : vector<2048x64xf32>
    %add3A_41 = arith.constant 9.99999974E-6 : f32
    %add3A_42 = vector.broadcast %add3A_41 : f32 to vector<2048x1xf32>
    %add3A_43 = arith.addf %div3A_38, %add3A_42 : vector<2048x1xf32>
    %sqrt3A = math.sqrt %add3A_43 : vector<2048x1xf32>
    %div3A_44 = vector.broadcast %sqrt3A : vector<2048x1xf32> to vector<2048x64xf32>
    %div3A_45 = arith.divf %sub3A_40, %div3A_44 : vector<2048x64xf32>
    %swap3A = arith.constant 0 : index
    %swap3A_46 = arith.constant 0 : index
    %swap3A_47 = vector.load %arg6[%swap3A, %swap3A_46] : memref<2048x64xf32, #tpu.memory_space<vmem>>, vector<2048x64xf32>
    tpu.vector_store %arg6[%swap3A, %swap3A_46], %div3A_45 {strides = array<i32>} : memref<2048x64xf32, #tpu.memory_space<vmem>>, vector<2048x64xf32>,
    return
  }
}

</mosaic_0001>

<sc_bundles>
// kernel: kernel.5.cloned.1.call-start
scs
__scs_entry_jumppad:
0x0: {  	(pc) =	sbr.rel $0x88, $3  }
0x1: {  	(tag) =	ssettag $0x0;
	lr =	simm.s32 $0x1  }
0x2: {  	[smem:$0x3F9D] =	sst lr;
	_ =	strace $0xD0000000  }
0x3: {  	_ = 	snop  }
0x4: {  	_ = 	snop  }
0x5: {  	_ = 	snop  }
0x6: {  	_ = 	snop  }
0x7: {  	_ = 	snop  }
__scs_overlays_trampoline_lowered:
0x8: {  	[smem:$0x3FAC] =	sst s0  }
0x9: {  	[smem:$0x3FAD] =	sst s1  }
0xa: {  	[smem:$0x3FAE] =	sst s2  }
0xb: {  	[smem:$0x3FAF] =	sst s3  }
0xc: {  	[smem:$0x3FB0] =	sst s4  }
0xd: {  	[smem:$0x3FB1] =	sst s5  }
0xe: {  	[smem:$0x3FB2] =	sst s6  }
0xf: {  	[smem:$0x3FB3] =	sst s7  }
0x10: {  	[smem:$0x3FB4] =	sst s8  }
0x11: {  	[smem:$0x3FB5] =	sst s9;
	s0 =	simm.s32 @!p0 $0x0  }
0x12: {  	s1 =	sld [smem:$0x3F9B];
	s0 =	simm.s32 @p0 $0x1  }
0x13: {  	[smem:$0x3FB6] =	sst s0;
	s0 =	simm.s32 @!p1 $0x0  }
0x14: {  	s2 =	sld [smem:$0x3F9A];
	s0 =	simm.s32 @p1 $0x1  }
0x15: {  	[smem:$0x3FB7] =	sst s0;
	s0 =	simm.s32 @!p2 $0x0  }
0x16: {  	s3 =	sld [smem:$0x3FDB];
	s0 =	simm.s32 @p2 $0x1  }
0x17: {  	s4 =	simm.s32 $0x1BF5;
	[smem:$0x3FB9] =	sst s0  }
0x18: {  	s0 =	sld [smem:$0x3F9C];
	_ =	swait.ge [sflag:s4], $0x0  }
0x19: {  	s7 =	sld [smem:$0x3F9D]  }
0x1a: {  	s8 =	sadd.s32 $0xFFFFE003, lr  }
0x1b: {  	s9 =	sadd.s32 $0xFFFFFEF7, lr;
	s5 =	simm.s32 $0xFFFFFFFF;
	p2 =	slt.u32 s8, $0xFFFFF086  }
0x1c: {  	p1 =	slt.u32 s9, $0xF7A;
	s5 =	simm.s32 @!p2 $0x0  }
0x1d: {  	s5 =	simm.s32 @p1 $0x1;
	p0 =	seq.s32 s7, s2  }
0x1e: {  	s7 =	smul.u32 @!p0 $0xF7A, s2;
	p2 =	seq.s32 @!p0 s5, $0x0  }
0x1f: {  	s9 =	smul.u32 $0xF7A, s1;
	s8 =	simm.s32 @!p0 $0x1BF5;
	p2 =	por !p2, p0  }
0x20: {  	[sflag:s8] =	ssyncset.s32 @!p0 $0xFFFFF086;
	s6 =	sadd.s32 @!p0 s3, s7;
	s7 =	simm.s32 @!p0 $0x108  }
0x21: {  	s3 =	sadd.s32 s3, s9;
	s6 =	sadd.s32 @!p0 $0x88, s6;
	s7 =	simm.s32 @p2 $0x1082  }
0x22: {  	[simem:s7], [sflag:s8] =	dma.local @!p0 [hbm:s6], $0xF7A  }
0x23: {  	s9 =	sor.u32 $0xD0000000, s2;
	s6 =	simm.s32 $0x108;
	_ =	swait.ge @!p0 [sflag:s8], $0x0  }
0x24: {  	s3 =	sadd.s32 $0x88, s3;
	s6 =	simm.s32 @!p1 $0x1082;
	[sflag:s4] =	ssyncset.s32 $0xFFFFF086  }
0x25: {  	[simem:s6], [sflag:s4] =	dma.local [hbm:s3], $0xF7A  }
0x26: {  	[smem:$0x3F9D] =	sst s1;
	(tag) =	ssettag s2;
	_ =	strace s9  }
0x27: {  	s1 =	sld [smem:$0x3FAD]  }
0x28: {  	s2 =	sld [smem:$0x3FAE]  }
0x29: {  	s4 =	sld [smem:$0x3FB0]  }
0x2a: {  	p0 =	seq.s32 s5, $0x0;
	s5 =	sld [smem:$0x3FB1]  }
0x2b: {  	s6 =	sld [smem:$0x3FB2]  }
0x2c: {  	s7 =	sld [smem:$0x3FB3]  }
0x2d: {  	s3 =	simm.s32 $0x108;
	s8 =	sld [smem:$0x3FB4]  }
0x2e: {  	s3 =	simm.s32 @!p0 $0x1082;
	s9 =	sld [smem:$0x3FB5]  }
0x2f: {  	lr =	sadd.s32 s0, s3;
	s0 =	sld [smem:$0x3FAC]  }
0x30: {  	s3 =	sld [smem:$0x3FAF]  }
0x31: {  	[smem:$0x3FB8] =	sst s10  }
0x32: {  	s10 =	sld [smem:$0x3FB6];
	_ =	sdelay $0x3  }
0x33: {  	p0 =	seq.s32 s10, $0x1;
	s10 =	sld [smem:$0x3FB8];
	_ =	sdelay $0x3  }
0x34: {  	[smem:$0x3FB8] =	sst s10  }
0x35: {  	s10 =	sld [smem:$0x3FB7];
	_ =	sdelay $0x3  }
0x36: {  	p1 =	seq.s32 s10, $0x1;
	s10 =	sld [smem:$0x3FB8];
	_ =	sdelay $0x3  }
0x37: {  	[smem:$0x3FB8] =	sst s10  }
0x38: {  	s10 =	sld [smem:$0x3FB9]  }
0x39: {  	_ = 	snop;
	(pc) =	sbr.ind lr, $3  }
0x3a: {  	_ = 	snop  }
0x3b: {  	_ = 	snop  }
0x3c: {  	p2 =	seq.s32 s10, $0x1;
	s10 =	sld [smem:$0x3FB8]  }
0x3d: {  	_ =	shalt  }
0x3e: {  	_ =	shalt  }
0x3f: {  	_ =	shalt  }
0x40: {  	_ =	shalt  }
0x41: {  	_ =	shalt  }
0x42: {  	_ =	shalt  }
0x43: {  	_ =	shalt  }
0x44: {  	_ =	shalt  }
0x45: {  	_ =	shalt  }
0x46: {  	_ =	shalt  }
0x47: {  	_ =	shalt  }
0x48: {  	_ =	shalt  }
0x49: {  	_ =	shalt  }
0x4a: {  	_ =	shalt  }
0x4b: {  	_ =	shalt  }
0x4c: {  	_ =	shalt  }
0x4d: {  	_ =	shalt  }
0x4e: {  	_ =	shalt  }
0x4f: {  	_ =	shalt  }
0x50: {  	_ =	shalt  }
0x51: {  	_ =	shalt  }
0x52: {  	_ =	shalt  }
0x53: {  	_ =	shalt  }
0x54: {  	_ =	shalt  }
0x55: {  	_ =	shalt  }
0x56: {  	_ =	shalt  }
0x57: {  	_ =	shalt  }
0x58: {  	_ =	shalt  }
0x59: {  	_ =	shalt  }
0x5a: {  	_ =	shalt  }
0x5b: {  	_ =	shalt  }
0x5c: {  	_ =	shalt  }
0x5d: {  	_ =	shalt  }
0x5e: {  	_ =	shalt  }
0x5f: {  	_ =	shalt  }
0x60: {  	_ =	shalt  }
0x61: {  	_ =	shalt  }
0x62: {  	_ =	shalt  }
0x63: {  	_ =	shalt  }
0x64: {  	_ =	shalt  }
0x65: {  	_ =	shalt  }
0x66: {  	_ =	shalt  }
0x67: {  	_ =	shalt  }
0x68: {  	_ =	shalt  }
0x69: {  	_ =	shalt  }
0x6a: {  	_ =	shalt  }
0x6b: {  	_ =	shalt  }
0x6c: {  	_ =	shalt  }
0x6d: {  	_ =	shalt  }
0x6e: {  	_ =	shalt  }
0x6f: {  	_ =	shalt  }
0x70: {  	_ =	shalt  }
0x71: {  	_ =	shalt  }
0x72: {  	_ =	shalt  }
0x73: {  	_ =	shalt  }
0x74: {  	_ =	shalt  }
0x75: {  	_ =	shalt  }
0x76: {  	_ =	shalt  }
0x77: {  	_ =	shalt  }
0x78: {  	_ =	shalt  }
0x79: {  	_ =	shalt  }
0x7a: {  	_ =	shalt  }
0x7b: {  	_ =	shalt  }
0x7c: {  	_ =	shalt  }
0x7d: {  	_ =	shalt  }
0x7e: {  	_ =	shalt  }
0x7f: {  	_ =	shalt  }
0x80: {  	_ =	shalt  }
0x81: {  	_ =	shalt  }
0x82: {  	_ =	shalt  }
0x83: {  	_ =	shalt  }
0x84: {  	_ =	shalt  }
0x85: {  	_ =	shalt  }
0x86: {  	_ =	shalt  }
0x87: {  	_ =	shalt  }
.Lfunc_end0:
.L_simem_size_0:
called_computation_lowered:
.L_overlay_start_0:
0x88: {  	s2 =	sld [smem:$0x3FD9]  }
0x89: {  	s3 =	sld [smem:$0x3FFE];
	_ =	sdelay $0x1  }
0x8a: {  	s1 =	srdreg.scid  }
0x8b: {  	s0 =	sand.u32 $0x1, s1  }
0x8c: {  	s14 =	sshll.u32 s0, $0xA;
	s2 =	sadd.s32 s3, s2  }
0x8d: {  	s2 =	sadd.s32 s2, s14  }
0x8e: {  	[smem:$0x3FC4] =	sst s2  }
0x8f: {  	_ = 	snop  }
0x90: {  	s2 =	sld [smem:$0x3FD0];
	_ =	sdelay $0x2  }
0x91: {  	s15 =	simm.s32 $0xA;
	s4 =	simm.s32 $0x10  }
0x92: {  	[smem:s4], [sflag:s15] =	dma.local [hbm:s2], $0x1  }
0x93: {  	_ =	swait.eq [sflag:s15], $0x1  }
0x94: {  	[sflag:s15] =	ssyncset.done $0x0  }
0x95: {  	s16 =	sld [smem:$0x10];
	[sflag:s15] =	ssyncadd.s32 $0xFFFFFFFF  }
0x96: {  	s17 =	sld [smem:$0x11];
	(tm) =	ssettm $0x1  }
0x97: {  	s18 =	sld [smem:$0x3FFB];
	_ =	sdelay $0x3  }
0x98: {  	_ =	strace s18  }
0x99: {  	s4 =	sld [smem:$0x3FFC];
	_ =	sdelay $0x3  }
0x9a: {  	_ =	strace s4  }
0x9b: {  	s4 =	sld [smem:$0x3FFD];
	_ =	sdelay $0x3  }
0x9c: {  	_ =	strace s4  }
0x9d: {  	_ =	strace $0x8FFFFFFF  }
0x9e: {  	s19 =	sld [smem:$0x3FDB];
	_ =	sdelay $0x1  }
0x9f: {  	s5 =	simm.s32 $_scs_section_size  }
0xa0: {  	s6 =	simm.s32 $_size__tile_overlayer_lowered;
	s7 =	simm.s32 $_tile_overlayer_lowered  }
0xa1: {  	s22 =	simm.s32 $0x1BFF;
	s21 =	sshll.u32 s7, $0x1;
	s4 =	sadd.s32 s5, s19  }
0xa2: {  	s8 =	simm.s32 $0x0;
	s20 =	sshll.u32 s6, $0x1;
	s6 =	sadd.s32 s21, s4  }
0xa3: {  	[timem:s8], [sflag:s22] =	dma.local [hbm:s6], s20  }
0xa4: {  	_ =	swait.ge [sflag:s22], s20  }
0xa5: {  	s5 =	ssub.s32 $0x0, s20;
	[sflag:s22] =	ssyncset.done $0x0  }
0xa6: {  	[sflag:s22] =	ssyncadd.s32 s5;
	_ =	sdelay $0x1  }
0xa7: {  	s23 =	simm.s32 $0x1B8B  }
0xa8: {  	_ =	swait.ge [sflag:s23], $0x1  }
0xa9: {  	[sflag:s23] =	ssyncset.done $0x0  }
0xaa: {  	s25 =	simm.s32 $0x1B8E;
	s24 =	sld [smem:$0x3FFE];
	[sflag:s23] =	ssyncadd.s32 $0xFFFFFFFF  }
0xab: {  	s26 =	simm.s32 $execute0_lowered;
	[smem:$0x3FD2] =	sst s25  }
0xac: {  	s6 =	sshll.u32 s26, $0x1;
	_ =	strace $0x80000046;
	[dreg:$0x1] =	wrdreg $0xFFFFFFFF  }
0xad: {  	s28 =	simm.s32 $_size_execute0_lowered;
	s4 =	sadd.s32 s4, s6;
	[dreg:$0x0] =	wrdreg $0x0  }
0xae: {  	s6 =	sshll.u32 s28, $0x1;
	[dreg:$0x2] =	wrdreg s4  }
0xaf: {  	[dreg:$0x3] =	wrdreg s6  }
0xb0: {  	[dreg:$0x4] =	wrdreg $0xC0  }
0xb1: {  	_ =	task [dreg:s8], $0x5FFFF  }
0xb2: {  	[dreg:$0x1] =	wrdreg $0xFFFFFFFF  }
0xb3: {  	[dreg:$0x0] =	wrdreg $0x60  }
0xb4: {  	[dreg:$0x2] =	wrdreg s16  }
0xb5: {  	[dreg:$0x3] =	wrdreg s24  }
0xb6: {  	[dreg:$0x4] =	wrdreg s17  }
0xb7: {  	[dreg:$0x5] =	wrdreg $0x9  }
0xb8: {  	_ =	task.clear_ibuf [dreg:s8], $0x6FFFF;
	_ =	strace $0x90000046  }
0xb9: {  	s29 =	simm.s32 $0x9;
	_ =	strace $0x80000048  }
0xba: {  	_ =	swait.ge [sflag:s29], $0x1  }
0xbb: {  	[sflag:s29] =	ssyncadd.s32 $0xFFFFFFFF  }
0xbc: {  	_ =	strace $0x90000048  }
0xbd: {  	_ =	sfence  }
0xbe: {  	s30 =	sld [smem:$0x0];
	_ =	sdelay $0x2  }
0xbf: {  	s31 =	sshll.u32 s1, $0xD;
	s1 =	sshrl.u32 s1, $0x2  }
0xc0: {  	s3 =	sand.u32 $0x4000, s31;
	s1 =	sadd.s32 s1, s30  }
0xc1: {  	s0 =	sor.u32 s3, s0;
	s1 =	sshll.u32 s1, $0x11  }
0xc2: {  	s0 =	sor.u32 s1, s0  }
0xc3: {  	s0 =	sadd.s32 $0x8F2B, s0  }
0xc4: {  	[sflag:s0] =	ssyncadd.remote.s32 $0x1  }
0xc5: {  	_ =	sfence.sel $0xFFFF  }
0xc6: {  	[dreg:$0x0] =	wrdreg $0xFFFFFFFF;
	(pc) =	sbr.abs _section_cstart, $3  }
0xc7: {  	[dreg:$0x1] =	wrdreg $0xFFFFFFFF  }
0xc8: {  	_ =	task.clear_ibuf [dreg:s8], $0x2FFFF;
	_ =	strace $0x9FFFFFFF  }
0xc9: {  	(tm) =	ssettm $0x7FFFFFFF  }
tec
execute0_lowered:
.L_overlay_start_1:
0x0: {  	(tag) =	ssettag $0x1  }
0x1: {  	v0 =	vimm.s32 $0xEFCDAB89  }
0x2: {  	v1 =	vimm.s32 $0x67452301;
	v2 =	vimm.s32 $0xDCFE98BA;
	v3 =	vimm.s32 $0x54761032  }
0x3: {  	v4 =	vimm.s32 $0xBA98FEDC;
	v5 =	vimm.s32 $0x32107654;
	v6 =	vimm.s32 $0xFEDCBA98  }
0x4: {  	s0 =	rddreg [dreg:$0x0];
	v7 =	vimm.s32 $0x76543210;
	v8 =	vimm.s32 $0x5;
	v9 =	vimm.s32 $0x6  }
0x5: {  	s5 =	rddreg [dreg:$0x1];
	v10 =	vimm.s32 $0x7;
	v11 =	vimm.s32 $0x8;
	v12 =	vimm.s32 $0x9  }
0x6: {  	s6 =	rddreg [dreg:$0x2];
	v13 =	vimm.s32 $0xA;
	v14 =	vimm.s32 $0xB;
	v15 =	vimm.s32 $0xC  }
0x7: {  	s1 =	rddreg [dreg:$0x3];
	s4 =	srdreg.scid;
	v16 =	vimm.s32 $0xD;
	v17 =	vimm.s32 $0xE;
	v18 =	vimm.s32 $0xF  }
0x8: {  	s3 =	simm.s32 $0x0;
	s2 =	stileid.u32;
	s12 =	simm.s32 $0x40;
	v19 =	vlaneseq.u32;
	v0 =	vunpack.c.l.s4.s8 v0;
	v2 =	vunpack.c.l.s4.s8 v2  }
0x9: {  	s13 =	simm.s32 $0xE100;
	s14 =	simm.s32 $0xE180;
	s15 =	simm.s32 $0x1;
	v3 =	vunpack.c.l.s4.s8 v3;
	v4 =	vunpack.c.l.s4.s8 v4;
	v5 =	vunpack.c.l.s4.s8 v5  }
0xa: {  	s16 =	simm.s32 $0xE000;
	s17 =	simm.s32 $0xE080;
	s18 =	simm.s32 $0x0;
	v1 =	vunpack.c.l.s4.s8 v1;
	v6 =	vunpack.c.l.s4.s8 v6;
	v2 =	vunpack.c.0.s8.s32 v2  }
0xb: {  	s7 =	sand.u32 $0x1, s4;
	[smem:$0x7FF] =	sst s3;
	s8 =	sshll.u32 s2, $0x7;
	v3 =	vunpack.c.0.s8.s32 v3;
	v4 =	vunpack.c.0.s8.s32 v4;
	v5 =	vunpack.c.0.s8.s32 v5  }
0xc: {  	v7 =	vunpack.c.l.s4.s8 v7;
	s4 =	sadd.s32 $0x1800, s5;
	s9 =	sshll.u32 s7, $0x6;
	s7 =	ssub.s32 $0x2, s7;
	v0 =	vunpack.c.0.s8.s32 v0;
	v1 =	vunpack.c.0.s8.s32 v1  }
0xd: {  	v23 =	vimm.s32 $0x0;
	_ =	strace $0x80000047;
	s8 =	sor.u32 s9, s8;
	s31 =	sshrl.u32 s7, $0x1;
	v2 =	vcombine.low v3, v2;
	v3 =	vcombine.low v5, v4  }
0xe: {  	s9 =	sshrl.u32 s8, $0x3;
	s8 =	sshll.u32 s8, $0x4;
	s11 =	ssub.s32 s7, s31;
	v4 =	vunpack.c.0.s8.s32 v6;
	v0 =	vcombine.low v1, v0;
	v5 =	vunpack.c.0.s8.s32 v7  }
0xf: {  	s10 =	sadd.s32 s9, s5;
	s8 =	sadd.s32 s8, s5;
	s6 =	sadd.s32 s6, s9;
	v6 =	vimm.s32 $0x3;
	v7 =	vimm.s32 $0x4;
	v1 =	vand.u32 $0xF, v2  }
0x10: {  	s9 =	smax.u32 s11, $0x1;
	s11 =	simm.s32 $0xC000;
	s5 =	sadd.s32 $0x11800, s8;
	v2 =	vand.u32 $0xF, v3;
	v3 =	vand.u32 $0xF, v4;
	v4 =	vimm.s32 $0x1  }
0x11: {  	s7 =	sadd.s32 $0x19800, s10;
	s8 =	sadd.s32 $0x19A00, s8;
	s10 =	simm.s32 $0x2;
	v20 =	vand.u32 $0xF, v0;
	v3 =	vcombine.low v3, v5;
	v5 =	vimm.s32 $0x2  }
.LBB2_1:
0x12: {  	[tilespmem:s3], [sflag:$0x2] =	stream.linear.gather [hbm4b:s0+s3], $0xC000, $0x38;
	[tilespmem:$0x10180] =	vst v63  }
0x13: {  	_ =	swait.ge [sflag:s10], $0xC000  }
0x14: {  	[sflag:s10] =	ssyncset.done $0x0  }
0x15: {  	[sflag:s10] =	ssyncadd.s32 $0xFFFF4000  }
0x16: {  	[tilespmem:s11], [sflag:$0x2] =	stream.linear.gather [hbm4b:s5+s3], $0x2000, $0x38;
	[tilespmem:$0x10180] =	vst v63  }
0x17: {  	_ =	swait.ge [sflag:s10], $0x2000  }
0x18: {  	[sflag:s10] =	ssyncset.done $0x0  }
0x19: {  	s19 =	simm.s32 $0x0;
	[sflag:s10] =	ssyncadd.s32 $0xFFFFE000  }
.LBB2_2:
0x1a: {  	s20 =	sshll.u32 s19, $0xB  }
0x1b: {  	s20 =	sand.u32 $0x3FFFF800, s20  }
0x1c: {  	s21 =	sadd.s32 $0xC000, s20  }
0x1d: {  	v21 =	vimm.f32 $0.0e+00;
	v22 =	vimm.s32 $0x0;
	s20 =	simm.s32 $0x0;
	v24 =	vmov s21;
	s21 =	simm.s32 $0x0  }
.LBB2_3:
0x1e: {  	_ =	sdelay $0x1  }
0x1f: {  	s22 =	sshll.u32 s21, $0x7  }
0x20: {  	s22 =	sand.u32 $0x3FFFFF80, s22  }
0x21: {  	v25 =	vld.idx.msk [tilespmem:v24+s22+$0x0 ss:$0x1], $0xffff;
	_ =	sdelay $0x4  }
0x22: {  	v26 =	vperm.xlane v25, v0;
	_ =	sdelay $0x1  }
0x23: {  	v27 =	vmin.f32 v25, v26;
	v26 =	vmax.f32 v25, v26  }
0x24: {  	v28 =	vperm.xlane v27, v1;
	v29 =	vperm.xlane v26, v1;
	_ =	sdelay $0x1  }
0x25: {  	v27 =	vmin.f32 v27, v28;
	v26 =	vmax.f32 v26, v29  }
0x26: {  	v28 =	vperm.xlane v27, v2;
	v29 =	vperm.xlane v26, v2;
	_ =	sdelay $0x1  }
0x27: {  	v27 =	vmin.f32 v27, v28;
	v26 =	vmax.f32 v26, v29  }
0x28: {  	v28 =	vperm.xlane v27, v3;
	v29 =	vperm.xlane v26, v3;
	_ =	sdelay $0x1  }
0x29: {  	v27 =	vmin.f32 v27, v28;
	v26 =	vmax.f32 v26, v29  }
0x2a: {  	v26 =	vsub.f32 v26, v27;
	_ =	sdelay $0x1  }
0x2b: {  	v26 =	vadd.f32 $9.999999930e-09, v26;
	_ =	sdelay $0x1  }
0x2c: {  	(erf) = vrcp.f32 v26;
	_ =	sdelay $0x5  }
0x2d: {  	s24 =	sand.u32 $0x70, s20;
	s23 =	sand.u32 $0x7C00, s20  }
0x2e: {  	s23 =	sor.u32 s24, s23  }
0x2f: {  	v28 =	vld [tilespmem:s23+$0x80];
	v25 =	vsub.f32 v25, v27  }
0x30: {  	v26 =	vld [tilespmem:s23+$0x0];
	v27 =	vpop (erf)  }
0x31: {  	v40 =	vmul.f32 v27, v25  }
0x32: {  	v25 =	vld [tilespmem:s23+$0x100]  }
0x33: {  	v41 =	vld [tilespmem:s23+$0x6100];
	v37 =	vperm.xlane v40, v23;
	v38 =	vperm.xlane v40, v4  }
0x34: {  	v27 =	vld [tilespmem:s23+$0x180]  }
0x35: {  	v42 =	vld [tilespmem:s23+$0x6000];
	v39 =	vperm.xlane v40, v5;
	v26 =	vsub.f32 v37, v26;
	v28 =	vsub.f32 v38, v28  }
0x36: {  	v43 =	vld [tilespmem:s23+$0x6080];
	v36 =	vperm.xlane v40, v6  }
0x37: {  	v48 =	vld [tilespmem:s23+$0x6180];
	v25 =	vsub.f32 v39, v25;
	v26 =	vand.u32 $0x7FFFFFFF, v26;
	v28 =	vand.u32 $0x7FFFFFFF, v28  }
0x38: {  	s25 =	sand.u32 $0x7, s20;
	v29 =	vld [tilespmem:s23+$0x200];
	v26 =	vadd.f32 v28, v26  }
0x39: {  	s22 =	sshll.u32 s25, $0x4;
	v55 =	vld [tilespmem:s23+$0x6200];
	v27 =	vsub.f32 v36, v27;
	v25 =	vand.u32 $0x7FFFFFFF, v25  }
0x3a: {  	s22 =	sadd.s32 $0x0, s22;
	v28 =	vld [tilespmem:s23+$0x280];
	v25 =	vadd.f32 v25, v26  }
0x3b: {  	s22 =	sor.u32 $0x380, s22;
	v34 =	vperm.xlane v40, v7;
	v27 =	vand.u32 $0x7FFFFFFF, v27;
	v26 =	vld [tilespmem:s23+$0x300]  }
0x3c: {  	s24 =	simm.s32 $0x80;
	v25 =	vadd.f32 v27, v25;
	v27 =	vld [tilespmem:s22+$0x0];
	s22 =	simm.s32 $0x10  }
0x3d: {  	s24 =	sand.u32 $0x7C00, s24;
	v56 =	vld [tilespmem:s23+$0x6280];
	v32 =	vperm.xlane v40, v8;
	v29 =	vsub.f32 v34, v29;
	s25 =	sand.u32 $0x70, s22  }
0x3e: {  	v58 =	vld [tilespmem:s23+$0x6300];
	v31 =	vperm.xlane v40, v9;
	s25 =	sor.u32 s25, s24  }
0x3f: {  	v33 =	vperm.xlane v40, v11;
	v29 =	vand.u32 $0x7FFFFFFF, v29;
	v28 =	vsub.f32 v32, v28;
	v44 =	vld [tilespmem:s25+$0x0]  }
0x40: {  	v35 =	vperm.xlane v40, v10;
	v30 =	vperm.xlane v40, v12;
	v25 =	vadd.f32 v29, v25;
	v45 =	vld [tilespmem:s25+$0x80]  }
0x41: {  	v42 =	vsub.f32 v33, v42;
	v28 =	vand.u32 $0x7FFFFFFF, v28;
	v26 =	vsub.f32 v31, v26;
	v46 =	vld [tilespmem:s25+$0x100]  }
0x42: {  	v43 =	vsub.f32 v30, v43;
	v29 =	vperm.xlane v40, v13;
	v49 =	vld [tilespmem:s25+$0x180];
	v25 =	vadd.f32 v28, v25  }
0x43: {  	s26 =	simm.s32 $0x1;
	v50 =	vld [tilespmem:s25+$0x200];
	v28 =	vperm.xlane v40, v14;
	v26 =	vand.u32 $0x7FFFFFFF, v26;
	v27 =	vsub.f32 v35, v27  }
0x44: {  	v42 =	vand.u32 $0x7FFFFFFF, v42;
	v43 =	vand.u32 $0x7FFFFFFF, v43;
	s24 =	sand.u32 $0x7, s26;
	v51 =	vld [tilespmem:s25+$0x6100];
	v26 =	vadd.f32 v26, v25  }
0x45: {  	s24 =	sshll.u32 s24, $0x4;
	v54 =	vld [tilespmem:s25+$0x6280];
	v41 =	vsub.f32 v29, v41;
	v48 =	vsub.f32 v28, v48;
	v47 =	vand.u32 $0x7FFFFFFF, v27  }
0x46: {  	v60 =	vld [tilespmem:s23+$0x6380];
	s24 =	sadd.s32 $0x80, s24;
	v25 =	vperm.xlane v40, v16;
	v47 =	vadd.f32 v47, v26;
	v44 =	vsub.f32 v37, v44  }
0x47: {  	s31 =	simm.s32 $0x100;
	s23 =	simm.s32 $0x20;
	v57 =	vld [tilespmem:s25+$0x280];
	s24 =	sor.u32 $0x380, s24;
	v27 =	vperm.xlane v40, v15;
	v45 =	vsub.f32 v38, v45;
	v46 =	vsub.f32 v39, v46  }
0x48: {  	s26 =	sand.u32 $0x70, s23;
	v61 =	vld [tilespmem:s24+$0x0];
	s24 =	sand.u32 $0x7C00, s31;
	v26 =	vperm.xlane v40, v17;
	v49 =	vsub.f32 v36, v49;
	v50 =	vsub.f32 v34, v50  }
0x49: {  	v59 =	vld [tilespmem:s25+$0x300];
	s24 =	sor.u32 s26, s24;
	v51 =	vsub.f32 v29, v51;
	v44 =	vand.u32 $0x7FFFFFFF, v44;
	v45 =	vand.u32 $0x7FFFFFFF, v45  }
0x4a: {  	v40 =	vperm.xlane v40, v18;
	v53 =	vld [tilespmem:s24+$0x200];
	v54 =	vsub.f32 v25, v54;
	v44 =	vadd.f32 v45, v44  }
0x4b: {  	v42 =	vadd.f32 v42, v47;
	v46 =	vand.u32 $0x7FFFFFFF, v46;
	v47 =	vsub.f32 v27, v55  }
0x4c: {  	v41 =	vand.u32 $0x7FFFFFFF, v41;
	v45 =	vsub.f32 v32, v57;
	v44 =	vadd.f32 v46, v44  }
0x4d: {  	v49 =	vand.u32 $0x7FFFFFFF, v49;
	v57 =	vsub.f32 v40, v60;
	v42 =	vadd.f32 v43, v42  }
0x4e: {  	v48 =	vand.u32 $0x7FFFFFFF, v48;
	v43 =	vsub.f32 v25, v56;
	v44 =	vadd.f32 v49, v44  }
0x4f: {  	v62 =	vld [tilespmem:s25+$0x6000];
	v50 =	vand.u32 $0x7FFFFFFF, v50;
	v46 =	vsub.f32 v31, v59;
	v53 =	vsub.f32 v34, v53  }
0x50: {  	v63 =	vld [tilespmem:s25+$0x6080];
	v47 =	vand.u32 $0x7FFFFFFF, v47;
	v41 =	vadd.f32 v41, v42;
	v44 =	vadd.f32 v50, v44  }
0x51: {  	v45 =	vand.u32 $0x7FFFFFFF, v45;
	v42 =	vsub.f32 v26, v58;
	v58 =	vld [tilespmem:s24+$0x80];
	v49 =	vsub.f32 v35, v61  }
0x52: {  	v56 =	vld [tilespmem:s24+$0x0];
	v43 =	vand.u32 $0x7FFFFFFF, v43;
	v41 =	vadd.f32 v48, v41;
	v44 =	vadd.f32 v45, v44  }
0x53: {  	v46 =	vand.u32 $0x7FFFFFFF, v46;
	v53 =	vand.u32 $0x7FFFFFFF, v53;
	v42 =	vand.u32 $0x7FFFFFFF, v42  }
0x54: {  	v59 =	vld [tilespmem:s24+$0x100];
	v60 =	vand.u32 $0x7FFFFFFF, v49;
	v41 =	vadd.f32 v47, v41;
	v44 =	vadd.f32 v46, v44  }
0x55: {  	v49 =	vimm.f32 $3.000000010e+38;
	v47 =	vsub.f32 v33, v62;
	v62 =	vsub.f32 v30, v63  }
0x56: {  	v61 =	vld [tilespmem:s25+$0x6180];
	v45 =	vand.u32 $0x7FFFFFFF, v57;
	v48 =	vsub.f32 v38, v58;
	v44 =	vadd.f32 v60, v44  }
0x57: {  	v63 =	vld [tilespmem:s24+$0x180];
	v41 =	vadd.f32 v43, v41;
	v43 =	vsub.f32 v37, v56;
	v47 =	vand.u32 $0x7FFFFFFF, v47  }
0x58: {  	v57 =	vld [tilespmem:s25+$0x6200];
	v46 =	vand.u32 $0x7FFFFFFF, v62;
	v48 =	vand.u32 $0x7FFFFFFF, v48;
	v44 =	vadd.f32 v47, v44  }
0x59: {  	v41 =	vadd.f32 v42, v41;
	v42 =	vsub.f32 v39, v59;
	v43 =	vand.u32 $0x7FFFFFFF, v43  }
0x5a: {  	s28 =	simm.s32 $0x2;
	s31 =	simm.s32 $0x1400;
	v58 =	vld [tilespmem:s24+$0x280];
	v59 =	vand.u32 $0x7FFFFFFF, v51;
	v43 =	vadd.f32 v48, v43;
	v44 =	vadd.f32 v46, v44  }
0x5b: {  	v62 =	vld [tilespmem:s24+$0x300];
	v52 =	vadd.f32 v45, v41;
	v41 =	vor.u32 s31, v19;
	v45 =	vsub.f32 v28, v61;
	s31 =	sand.u32 $0x7, s28  }
0x5c: {  	v50 =	vsub.f32 v36, v63;
	v60 =	vld [tilespmem:s25+$0x6300];
	v42 =	vand.u32 $0x7FFFFFFF, v42;
	s26 =	sshll.u32 s31, $0x4;
	v44 =	vadd.f32 v59, v44  }
0x5d: {  	v61 =	vsub.f32 v27, v57;
	v42 =	vadd.f32 v42, v43;
	s26 =	sadd.s32 $0x100, s26;
	v45 =	vand.u32 $0x7FFFFFFF, v45  }
0x5e: {  	v63 =	vand.u32 $0x7FFFFFFF, v54;
	v50 =	vand.u32 $0x7FFFFFFF, v50;
	s26 =	sor.u32 $0x380, s26;
	v46 =	vld [tilespmem:s25+$0x6380];
	v55 =	vadd.f32 v45, v44  }
0x5f: {  	v56 =	vsub.f32 v32, v58;
	v43 =	vand.u32 $0x7FFFFFFF, v61;
	v50 =	vadd.f32 v50, v42;
	v45 =	vld [tilespmem:s26+$0x0]  }
0x60: {  	s29 =	simm.s32 $0x180;
	v48 =	vld [tilespmem:s24+$0x6000];
	vm0 =	vlt.f32 v52, v49;
	v51 =	vsub.f32 v31, v62;
	s25 =	simm.s32 $0x30;
	v43 =	vadd.f32 v43, v55  }
0x61: {  	s30 =	sand.u32 $0x7C00, s29;
	v47 =	vld [tilespmem:s24+$0x6080];
	v42 =	vsel vm0, v52, v49;
	s31 =	sand.u32 $0x70, s25;
	v52 =	vsub.f32 v26, v60;
	v49 =	vadd.f32 v53, v50  }
0x62: {  	v53 =	vand.u32 $0x7FFFFFFF, v56;
	v44 =	vld [tilespmem:s24+$0x6100];
	s26 =	sor.u32 s31, s30;
	s30 =	simm.s32 $0x40;
	v50 =	vadd.f32 v63, v43;
	v43 =	vimm.s32 $0x0  }
.LBB2_4:
0x63: {  	p0 =	sne.s32 s30, $0xBF0;
	v54 =	vld [tilespmem:s26+$0x0];
	v49 =	vadd.f32 v53, v49;
	v52 =	vand.u32 $0x7FFFFFFF, v52;
	v46 =	vsub.f32 v40, v46  }
0x64: {  	v53 =	vld [tilespmem:s26+$0x80];
	v51 =	vand.u32 $0x7FFFFFFF, v51;
	v45 =	vsub.f32 v35, v45;
	v50 =	vadd.f32 v52, v50  }
0x65: {  	v43 =	vsel vm0, v41, v43;
	v52 =	vld [tilespmem:s26+$0x100];
	v49 =	vadd.f32 v51, v49;
	v46 =	vand.u32 $0x7FFFFFFF, v46  }
0x66: {  	s31 =	sadd.s32 $0x1400, s22;
	s22 =	smov.u32 s23;
	s23 =	smov.u32 s25;
	v41 =	vand.u32 $0x7FFFFFFF, v45;
	v45 =	vsub.f32 v33, v48;
	v46 =	vadd.f32 v46, v50  }
0x67: {  	s25 =	smov.u32 s30;
	v48 =	vadd.f32 v41, v49;
	v47 =	vsub.f32 v30, v47;
	v49 =	vld [tilespmem:s24+$0x6180];
	v41 =	vor.u32 s31, v19  }
0x68: {  	v50 =	vsub.f32 v37, v54;
	v51 =	vld [tilespmem:s26+$0x180];
	v45 =	vand.u32 $0x7FFFFFFF, v45;
	vm0 =	vlt.f32 v46, v42  }
0x69: {  	v53 =	vsub.f32 v38, v53;
	v45 =	vadd.f32 v45, v48;
	v48 =	vld [tilespmem:s24+$0x6200];
	v42 =	vsel vm0, v46, v42  }
0x6a: {  	v44 =	vsub.f32 v29, v44;
	v47 =	vand.u32 $0x7FFFFFFF, v47;
	v46 =	vsub.f32 v39, v52;
	v52 =	vld [tilespmem:s26+$0x200]  }
0x6b: {  	s28 =	sadd.s32 $0x1, s28;
	v50 =	vand.u32 $0x7FFFFFFF, v50;
	v53 =	vand.u32 $0x7FFFFFFF, v53;
	v45 =	vadd.f32 v47, v45;
	v47 =	vld [tilespmem:s24+$0x6280]  }
0x6c: {  	s31 =	sand.u32 $0x7, s28;
	v44 =	vand.u32 $0x7FFFFFFF, v44;
	v50 =	vadd.f32 v53, v50;
	v53 =	vld [tilespmem:s26+$0x280];
	v49 =	vsub.f32 v28, v49  }
0x6d: {  	s31 =	sshll.u32 s31, $0x4;
	v46 =	vand.u32 $0x7FFFFFFF, v46;
	v51 =	vsub.f32 v36, v51;
	v44 =	vadd.f32 v44, v45;
	v54 =	vld [tilespmem:s24+$0x6300]  }
0x6e: {  	s31 =	sadd.s32 s31, s29;
	v45 =	vadd.f32 v46, v50;
	v50 =	vld [tilespmem:s26+$0x300];
	v46 =	vand.u32 $0x7FFFFFFF, v49;
	v48 =	vsub.f32 v27, v48  }
.Ltmp0:
0x6f: {  	s31 =	sor.u32 $0x380, s31;
	v49 =	vand.u32 $0x7FFFFFFF, v51;
	v51 =	vsub.f32 v34, v52;
	v52 =	vadd.f32 v46, v44;
	v46 =	vld [tilespmem:s24+$0x6380];
	s24 =	smov.u32 s26;
	(pc) =	sbr.rel @p0 .LBB2_4-.Ltmp0, $4  }
0x70: {  	v49 =	vadd.f32 v49, v45;
	v45 =	vld [tilespmem:s31+$0x0];
	v48 =	vand.u32 $0x7FFFFFFF, v48;
	v47 =	vsub.f32 v25, v47  }
0x71: {  	s29 =	sadd.s32 $0x80, s29;
	v51 =	vand.u32 $0x7FFFFFFF, v51;
	v53 =	vsub.f32 v32, v53;
	v44 =	vld [tilespmem:s24+$0x6100];
	v55 =	vadd.f32 v48, v52  }
0x72: {  	s26 =	sand.u32 $0x70, s30;
	s31 =	sand.u32 $0x7C00, s29;
	v49 =	vadd.f32 v51, v49;
	v48 =	vld [tilespmem:s24+$0x6000];
	v56 =	vand.u32 $0x7FFFFFFF, v47;
	v52 =	vsub.f32 v26, v54  }
0x73: {  	s30 =	sadd.s32 $0x10, s30;
	s26 =	sor.u32 s26, s31;
	v53 =	vand.u32 $0x7FFFFFFF, v53;
	v51 =	vsub.f32 v31, v50;
	v47 =	vld [tilespmem:s24+$0x6080];
	v50 =	vadd.f32 v56, v55  }
0x74: {  	v54 =	vld [tilespmem:s26+$0x0]  }
0x75: {  	v55 =	vld [tilespmem:s26+$0x80];
	_ =	sdelay $0x1  }
0x76: {  	v56 =	vld [tilespmem:s26+$0x100];
	_ =	sdelay $0x1  }
0x77: {  	v57 =	vld [tilespmem:s26+$0x180]  }
0x78: {  	v37 =	vsub.f32 v37, v54;
	v38 =	vsub.f32 v38, v55  }
0x79: {  	v63 =	vld [tilespmem:s26+$0x200]  }
0x7a: {  	s28 =	sadd.s32 $0x1, s28;
	v39 =	vsub.f32 v39, v56;
	v37 =	vand.u32 $0x7FFFFFFF, v37;
	v38 =	vand.u32 $0x7FFFFFFF, v38  }
0x7b: {  	v49 =	vadd.f32 v53, v49;
	v52 =	vand.u32 $0x7FFFFFFF, v52;
	s28 =	sand.u32 $0x7, s28;
	v56 =	vld [tilespmem:s26+$0x280];
	v37 =	vadd.f32 v38, v37  }
0x7c: {  	v46 =	vsub.f32 v40, v46;
	s28 =	sshll.u32 s28, $0x4;
	v36 =	vsub.f32 v36, v57;
	v39 =	vand.u32 $0x7FFFFFFF, v39  }
0x7d: {  	v51 =	vand.u32 $0x7FFFFFFF, v51;
	v45 =	vsub.f32 v35, v45;
	s28 =	sadd.s32 s28, s29;
	v57 =	vld [tilespmem:s26+$0x300];
	v37 =	vadd.f32 v39, v37  }
0x7e: {  	v50 =	vadd.f32 v52, v50;
	s28 =	sor.u32 $0x380, s28;
	v34 =	vsub.f32 v34, v63;
	v36 =	vand.u32 $0x7FFFFFFF, v36  }
0x7f: {  	v59 =	vadd.f32 v51, v49;
	v46 =	vand.u32 $0x7FFFFFFF, v46;
	v58 =	vld [tilespmem:s28+$0x0];
	v36 =	vadd.f32 v36, v37  }
0x80: {  	v60 =	vld [tilespmem:s26+$0x6000];
	v48 =	vsub.f32 v33, v48;
	v34 =	vand.u32 $0x7FFFFFFF, v34;
	v32 =	vsub.f32 v32, v56  }
0x81: {  	v62 =	vld [tilespmem:s26+$0x6080];
	v61 =	vand.u32 $0x7FFFFFFF, v45;
	v45 =	vadd.f32 v46, v50;
	v34 =	vadd.f32 v34, v36  }
0x82: {  	v49 =	vld [tilespmem:s24+$0x6180];
	v51 =	vsub.f32 v30, v47;
	v31 =	vsub.f32 v31, v57;
	v32 =	vand.u32 $0x7FFFFFFF, v32  }
0x83: {  	v53 =	vld [tilespmem:s26+$0x6100];
	v63 =	vadd.f32 v61, v59;
	v32 =	vadd.f32 v32, v34  }
0x84: {  	v52 =	vand.u32 $0x7FFFFFFF, v48;
	v59 =	vld [tilespmem:s26+$0x6180];
	v50 =	vsub.f32 v35, v58;
	v31 =	vand.u32 $0x7FFFFFFF, v31  }
0x85: {  	v54 =	vadd.f32 v52, v63;
	v63 =	vld [tilespmem:s24+$0x6300];
	v31 =	vadd.f32 v31, v32  }
0x86: {  	v47 =	vld [tilespmem:s24+$0x6380];
	v61 =	vsub.f32 v30, v62;
	v56 =	vsub.f32 v33, v60;
	v35 =	vand.u32 $0x7FFFFFFF, v50  }
0x87: {  	v55 =	vld [tilespmem:s24+$0x6200];
	v38 =	vsub.f32 v28, v49;
	v57 =	vand.u32 $0x7FFFFFFF, v51;
	v31 =	vadd.f32 v35, v31  }
0x88: {  	v62 =	vld [tilespmem:s26+$0x6200];
	v58 =	vsub.f32 v29, v44;
	v44 =	vsub.f32 v29, v53;
	v33 =	vand.u32 $0x7FFFFFFF, v56  }
0x89: {  	v30 =	vand.u32 $0x7FFFFFFF, v61;
	v60 =	vld [tilespmem:s24+$0x6280];
	v32 =	vadd.f32 v57, v54;
	v31 =	vadd.f32 v33, v31  }
0x8a: {  	v48 =	vsub.f32 v28, v59;
	v37 =	vand.u32 $0x7FFFFFFF, v58;
	v51 =	vsub.f32 v26, v63  }
0x8b: {  	v46 =	vld [tilespmem:s26+$0x6280];
	v38 =	vand.u32 $0x7FFFFFFF, v38;
	v32 =	vadd.f32 v37, v32;
	v30 =	vadd.f32 v30, v31  }
0x8c: {  	v29 =	vand.u32 $0x7FFFFFFF, v44;
	v56 =	vsub.f32 v40, v47;
	v34 =	vsub.f32 v27, v55  }
0x8d: {  	v50 =	vld [tilespmem:s26+$0x6300];
	v28 =	vand.u32 $0x7FFFFFFF, v48;
	v32 =	vadd.f32 v38, v32;
	v29 =	vadd.f32 v29, v30  }
0x8e: {  	v49 =	vsub.f32 v25, v60;
	v27 =	vsub.f32 v27, v62;
	v34 =	vand.u32 $0x7FFFFFFF, v34  }
0x8f: {  	v52 =	vld [tilespmem:s26+$0x6380];
	v32 =	vadd.f32 v34, v32;
	v28 =	vadd.f32 v28, v29  }
0x90: {  	v25 =	vsub.f32 v25, v46;
	v53 =	vand.u32 $0x7FFFFFFF, v49;
	v27 =	vand.u32 $0x7FFFFFFF, v27  }
0x91: {  	v54 =	vadd.f32 v53, v32;
	v27 =	vadd.f32 v27, v28  }
0x92: {  	v55 =	vand.u32 $0x7FFFFFFF, v51;
	v25 =	vand.u32 $0x7FFFFFFF, v25;
	v26 =	vsub.f32 v26, v50  }
0x93: {  	v57 =	vadd.f32 v55, v54;
	v25 =	vadd.f32 v25, v27  }
0x94: {  	v58 =	vsub.f32 v40, v52;
	v26 =	vand.u32 $0x7FFFFFFF, v26;
	v27 =	vand.u32 $0x7FFFFFFF, v56  }
0x95: {  	vm1 =	vlt.f32 v45, v42;
	v27 =	vadd.f32 v27, v57;
	v25 =	vadd.f32 v26, v25  }
0x96: {  	v28 =	vand.u32 $0x7FFFFFFF, v58;
	v26 =	vsel vm1, v45, v42  }
0x97: {  	vm2 =	vlt.f32 v27, v26;
	v25 =	vadd.f32 v28, v25  }
0x98: {  	v26 =	vsel vm2, v27, v26  }
0x99: {  	vm3 =	vlt.f32 v25, v26  }
0x9a: {  	v25 =	vsel vm3, v25, v26  }
0x9b: {  	v26 =	vperm.xlane v25, v20;
	_ =	sdelay $0x1  }
0x9c: {  	v26 =	vmin.f32 v25, v26  }
0x9d: {  	v27 =	vperm.xlane v26, v1;
	_ =	sdelay $0x1  }
0x9e: {  	v26 =	vmin.f32 v26, v27  }
0x9f: {  	v27 =	vperm.xlane v26, v2;
	_ =	sdelay $0x1  }
0xa0: {  	s22 =	sadd.s32 $0x1400, s22;
	v26 =	vmin.f32 v26, v27  }
0xa1: {  	s30 =	sadd.s32 $0x1400, s23;
	v59 =	vor.u32 s22, v19;
	v27 =	vsel vm0, v41, v43;
	v60 =	vperm.xlane v26, v3  }
0xa2: {  	s31 =	sadd.s32 $0x1400, s25;
	v61 =	vor.u32 s30, v19;
	v27 =	vsel vm1, v59, v27  }
0xa3: {  	v62 =	vor.u32 s31, v19;
	v27 =	vsel vm2, v61, v27;
	v26 =	vmin.f32 v26, v60  }
0xa4: {  	v27 =	vsel vm3, v62, v27;
	vm14 =	veq.f32 v25, v26  }
0xa5: {  	v25 =	vnsel vm14, $0x4000, v27  }
0xa6: {  	v27 =	vperm.xlane v25, v20;
	_ =	sdelay $0x1  }
0xa7: {  	vm0 =	vlt.s32 v25, v27  }
0xa8: {  	v25 =	vsel vm0, v25, v27  }
0xa9: {  	v27 =	vperm.xlane v25, v1;
	_ =	sdelay $0x1  }
0xaa: {  	vm0 =	vlt.s32 v25, v27  }
0xab: {  	v25 =	vsel vm0, v25, v27  }
0xac: {  	v27 =	vperm.xlane v25, v2;
	_ =	sdelay $0x1  }
0xad: {  	v63 =	vmov s21;
	s21 =	sadd.s32 $0x1, s21;
	vm0 =	vlt.s32 v25, v27  }
0xae: {  	p0 =	sne.s32 s21, $0x10;
	v25 =	vsel vm0, v25, v27  }
.Ltmp1:
0xaf: {  	v27 =	vperm.xlane v25, v3;
	(pc) =	sbr.rel @p0 .LBB2_3-.Ltmp1, $4  }
0xb0: {  	_ = 	snop  }
0xb1: {  	vm0 =	vlt.s32 v25, v27  }
0xb2: {  	vm15 =	veq.s32 v63, v19;
	v25 =	vsel vm0, v25, v27  }
0xb3: {  	v21 =	vsel vm15, v26, v21;
	v22 =	vsel vm15, v25, v22  }
0xb4: {  	s20 =	sshll.u32 s19, $0x4;
	s19 =	sadd.s32 $0x1, s19  }
0xb5: {  	p0 =	sne.s32 s19, $0x4  }
.Ltmp2:
0xb6: {  	_ = 	snop;
	(pc) =	sbr.rel @p0 .LBB2_2-.Ltmp2, $4  }
0xb7: {  	_ = 	snop  }
0xb8: {  	[tilespmem:s20+$0xE000] =	vst v21  }
0xb9: {  	[tilespmem:s20+$0xE080] =	vst v22;
	v21 =	vshrl.u32 v22, $0x1  }
0xba: {  	[tilespmem:s20+$0xE100] =	vst v21  }
0xbb: {  	[tilespmem:s14], [sflag:$0x1] =	stream.indirect.gather [hbm4b:s4+s12], $0x80, s13, s12, $0xb8;
	[tilespmem:$0x10180] =	vst v63  }
0xbc: {  	_ =	swait.ge [sflag:s15], $0x2000  }
0xbd: {  	[sflag:s15] =	ssyncset.done $0x0  }
0xbe: {  	[sflag:s15] =	ssyncadd.s32 $0xFFFFE000  }
0xbf: {  	[hbm4b:s6+s3] =	stream.linear.scatter [tilespmem:s16], [sflag:$0x2], $0x40, $0x38;
	[tilespmem:$0x10180] =	vst v63  }
0xc0: {  	_ =	swait.ge [sflag:s10], $0x40  }
0xc1: {  	[sflag:s10] =	ssyncset.done $0x0  }
0xc2: {  	[sflag:s10] =	ssyncadd.s32 $0xFFFFFFC0  }
0xc3: {  	[hbm4b:s7+s3] =	stream.linear.scatter [tilespmem:s17], [sflag:$0x2], $0x40, $0x38;
	[tilespmem:$0x10180] =	vst v63  }
0xc4: {  	s18 =	sadd.s32 $0x1, s18;
	_ =	swait.ge [sflag:s10], $0x40  }
0xc5: {  	p0 =	sne.s32 s18, s9;
	[sflag:s10] =	ssyncset.done $0x0  }
.Ltmp3:
0xc6: {  	[sflag:s10] =	ssyncadd.s32 $0xFFFFFFC0;
	(pc) =	sbr.rel @p0 .LBB2_1-.Ltmp3, $4  }
0xc7: {  	[hbm4b:s8+s3] =	stream.linear.scatter [tilespmem:s14], [sflag:$0x2], $0x2000, $0x38;
	[tilespmem:$0x10180] =	vst v63  }
0xc8: {  	_ =	swait.ge [sflag:s10], $0x2000  }
0xc9: {  	[sflag:s10] =	ssyncset.done $0x0  }
0xca: {  	[sflag:s10] =	ssyncadd.s32 $0xFFFFE000  }
0xcb: {  	_ =	sfence.sel $0x180000  }
0xcc: {  	[bflag:$0x0] =	sbarrier.arrive $0xFFFF  }
0xcd: {  	p0 =	sne.s32 s2, $0x0;
	_ =	strace $0x90000047  }
0xce: {  	s0 =	sadd.s32 @!p0 $0x100000, s1;
	[bflag:$0x2] =	sbarrier.arrive $0xFFFF  }
0xcf: {  	[sflag:s0] =	ssyncadd.tile.s32 @!p0 $0x1;
	_ =	shalt  }
.Lfunc_end2:
_tile_overlayer_lowered:
.L_overlay_start_2:
0xd0: {  	(tag) =	ssettag $0x2  }
0xd1: {  	s0 =	rddreg [dreg:$0x0];
	s2 =	stileid.u32  }
0xd2: {  	s1 =	rddreg [dreg:$0x1];
	p0 =	sne.s32 s2, $0x0  }
0xd3: {  	s3 =	rddreg [dreg:$0x2];
	[bflag:$0x3] =	sbarrier.arrive $0xFFFF;
	s2 =	simm.s32 @!p0 $0x1C02  }
0xd4: {  	[timem:s3], [sflag:s2] =	dma.local @!p0 [hbm:s0], s1  }
0xd5: {  	s0 =	simm.s32 @!p0 $0x2  }
0xd6: {  	_ =	swait.ge @!p0 [sflag:s0], s1  }
0xd7: {  	s1 =	ssub.s32 @!p0 $0x0, s1;
	[sflag:s0] =	ssyncset.done @!p0 $0x0  }
0xd8: {  	[sflag:s0] =	ssyncadd.s32 @!p0 s1  }
0xd9: {  	[bflag:$0x3] =	sbarrier.arrive $0xFFFF  }
0xda: {  	_ =	shalt  }

</sc_bundles>
